<compile_context>
chip_gen: v7x
topology: tpu7x:2x2x1
jax: 0.10.2.dev20260603
libtpu: 0.0.44.dev20260713+nightly
codegen_flags: <defaults>
</compile_context>

<pallas_src>
import jax
import jax.numpy as jnp
from jax.experimental import pallas as pl
from jax.experimental.pallas import tpu as pltpu
from jax.experimental.pallas import tpu_sc as plsc

_BR = 128
_BC = 128
_L_MAIN = 99968


def _make_sc_kernel(B, L):
    mesh = plsc.VectorSubcoreMesh(core_axis_name="c", subcore_axis_name="s")

    @pl.kernel(
        out_type=jax.ShapeDtypeStruct((B, L), jnp.float32),
        mesh=mesh,
    )
    def sc_bias_add(x_hbm, b_hbm, o_hbm):
        def body(x_v, b_v, o_v):
            @pl.loop(0, _BC, step=16)
            def _(c):
                bvec = b_v.at[0, pl.ds(c, 16)][...]

                @pl.loop(0, _BR, unroll=16)
                def _(r):
                    o_v.at[r, pl.ds(c, 16)][...] = x_v.at[r, pl.ds(c, 16)][...] + bvec

        pltpu.emit_pipeline(
            body,
            grid=(B // _BR, _L_MAIN // _BC),
            in_specs=[
                pl.BlockSpec((_BR, _BC), lambda i, j: (i, j)),
                pl.BlockSpec((1, _BC), lambda i, j: (0, j)),
            ],
            out_specs=[pl.BlockSpec((_BR, _BC), lambda i, j: (i, j))],
            core_axis_name=("c", "s"),
            dimension_semantics=(pltpu.PARALLEL, pltpu.PARALLEL),
        )(x_hbm, b_hbm, o_hbm)

    return sc_bias_add


def _tail_kernel(xt_ref, bt_ref, o_ref):
    o_ref[...] = xt_ref[...] + bt_ref[...]


def _tail_add(x_tail, b_tail, B, tail):
    return pl.pallas_call(
        _tail_kernel,
        grid=(1,),
        in_specs=[
            pl.BlockSpec((B, tail), lambda i: (0, 0)),
            pl.BlockSpec((1, tail), lambda i: (0, 0)),
        ],
        out_specs=pl.BlockSpec((B, tail), lambda i: (0, 0)),
        out_shape=jax.ShapeDtypeStruct((B, tail), jnp.float32),
    )(x_tail, b_tail)


def kernel(user_emb, loc_logits, user_loc_weights, loc_bias):
    B, L = loc_logits.shape
    bias2d = loc_bias.reshape(1, L)
    out_main = _make_sc_kernel(B, L)(loc_logits, bias2d)
    tail_done = _tail_add(loc_logits[:, _L_MAIN:], bias2d[:, _L_MAIN:], B, L - _L_MAIN)
    return jax.lax.dynamic_update_slice(out_main, tail_done, (0, _L_MAIN))

# --- scband reference (transcript-rebuilt; emitter-appended) ---
"""Pipeline reference for scband-user-location-interaction-20976620273709 (READ-ONLY COPY).

The authoritative reference and input builder live on the scoring server;
editing this copy changes nothing except your own understanding.
"""

import jax, jax.numpy as jnp
import numpy as np

NUM_USERS = 100000
NUM_LOCATIONS = 100000
D_MODEL = 64
BATCH = 1024

def setup_inputs(seed: int = 0) -> dict:
    key = jax.random.key(seed)
    k1, k2, k3 = jax.random.split(key, 3)
    user_emb = jax.random.randint(k1, (BATCH,), 0, NUM_USERS, dtype=jnp.int64) if jax.config.jax_enable_x64 else jax.random.randint(k1, (BATCH,), 0, NUM_USERS).astype(jnp.int32)
    loc_logits = jax.random.normal(k2, (BATCH, NUM_LOCATIONS), dtype=jnp.float32)
    # learned parameters: nn.Embedding(num_users, d_model) weight, loc_bias initialized to zeros per torch code
    user_loc_weights = jax.random.normal(k3, (NUM_USERS, D_MODEL), dtype=jnp.float32)
    loc_bias = jnp.zeros((NUM_LOCATIONS,), dtype=jnp.float32)
    return {"user_emb": user_emb, "loc_logits": loc_logits, "user_loc_weights": user_loc_weights, "loc_bias": loc_bias}

def reference(user_emb, loc_logits, user_loc_weights, loc_bias):
    # user_pref = self.user_loc_weights(user_emb)  -- embedding gather (computed but not used in output, faithful to original)
    user_pref = jnp.take(user_loc_weights, user_emb, axis=0)
    # logits = loc_logits + self.loc_bias
    logits = loc_logits + loc_bias
    return logits

if __name__ == "__main__":
    import jax
    _d = setup_inputs()
    print(jax.jit(kernel)(*tuple(_d.values())))

</pallas_src>

<mosaic_0001>
#map = affine_map<(d0, d1) -> (0, 0)>
module attributes {stable_mosaic.version = 14 : i64} {
  func.func @sc_bias_add(%arg0: i32, %arg1: i32, %arg2: memref<1024x100000xf32, #tpu.memory_space<hbm>>, %arg3: memref<1x100000xf32, #tpu.memory_space<hbm>>, %arg4: memref<1024x100000xf32, #tpu.memory_space<hbm>>) attributes {dimension_semantics = [#tpu.dimension_semantics<core_parallel>, #tpu.dimension_semantics<subcore_parallel>], iteration_bounds = array<i64: 2, 16>, scalar_prefetch = 0 : i64, scratch_operands = 0 : i64, tpu.core_type = #tpu.core_type<sc_vector_subcore>, window_params = [{transform_indices = #map}, {transform_indices = #map}, {transform_indices = #map}]} {
    %mul3A = arith.constant 1 : i32
    %mul3A_0 = arith.muli %arg1, %mul3A : i32
    %add3A = arith.constant 0 : i32
    %add3A_1 = arith.addi %add3A, %mul3A_0 : i32
    %mul3A_2 = arith.constant 16 : i32
    %mul3A_3 = arith.muli %arg0, %mul3A_2 : i32
    %add3A_4 = arith.addi %add3A_1, %mul3A_3 : i32
    %lt3A = arith.constant 13 : i32
    %lt3A_5 = arith.cmpi slt, %add3A_4, %lt3A : i32
    %jit3A = arith.constant 25 : i32
    %jit3A_6 = arith.constant 24 : i32
    %select_n3A = arith.select %lt3A_5, %jit3A, %jit3A_6 : i32
    %lt3A_7 = arith.constant 13 : i32
    %lt3A_8 = arith.cmpi slt, %add3A_4, %lt3A_7 : i32
    %mul3A_9 = arith.muli %add3A_4, %select_n3A : i32
    %mul3A_10 = arith.constant 24 : i32
    %mul3A_11 = arith.muli %add3A_4, %mul3A_10 : i32
    %add3A_12 = arith.constant 13 : i32
    %add3A_13 = arith.addi %mul3A_11, %add3A_12 : i32
    %select_n3A_14 = arith.select %lt3A_8, %mul3A_9, %add3A_13 : i32
    %mul3A_15 = arith.constant 8 : i32
    %mul3A_16 = arith.muli %mul3A_15, %select_n3A : i32
    "tpu.region"() ({
      %run_scoped3A = memref.alloca() : memref<2x128x128xf32, #tpu.memory_space<vmem>>
      %run_scoped3A_17 = tpu.sem_alloc : memref<2x!tpu.dma_semaphore, #tpu.memory_space<semaphore_mem>>
      %run_scoped3A_18 = memref.alloca() : memref<2x1x128xf32, #tpu.memory_space<vmem>>
      %run_scoped3A_19 = tpu.sem_alloc : memref<2x!tpu.dma_semaphore, #tpu.memory_space<semaphore_mem>>
      %run_scoped3A_20 = memref.alloca() : memref<2x128x128xf32, #tpu.memory_space<vmem>>
      %run_scoped3A_21 = tpu.sem_alloc : memref<2x!tpu.dma_semaphore, #tpu.memory_space<semaphore_mem>>
      %gt3A = arith.constant 0 : i32
      %gt3A_22 = arith.cmpi sgt, %mul3A_16, %gt3A : i32
      %convert_element_type3A = arith.extui %gt3A_22 : i1 to i32
      %cond3A = arith.constant 0 : i32
      %cond3A_23 = arith.cmpi ne, %convert_element_type3A, %cond3A : i32
      scf.if %cond3A_23 {
        %mul3A_24 = arith.constant 8 : i32
        %mul3A_25 = arith.muli %mul3A_24, %select_n3A : i32
        %sub3A = arith.constant 1 : i32
        %sub3A_26 = arith.subi %mul3A_25, %sub3A : i32
        %eq3A = arith.constant 0 : i32
        %eq3A_27 = arith.cmpi eq, %sub3A_26, %eq3A : i32
        %add3A_28 = arith.constant 0 : i32
        %add3A_29 = arith.addi %add3A_28, %select_n3A_14 : i32
        %select_n3A_30 = arith.constant true
        %select_n3A_31 = arith.constant 0 : i32
        %select_n3A_32 = arith.constant -1 : i32
        %select_n3A_33 = arith.select %select_n3A_30, %select_n3A_32, %select_n3A_31 : i32
        %eq3A_34 = arith.constant -1 : i32
        %eq3A_35 = arith.cmpi eq, %select_n3A_33, %eq3A_34 : i32
        %sub3A_36 = arith.constant 1 : i32
        %sub3A_37 = arith.subi %select_n3A, %sub3A_36 : i32
        %select_n3A_38 = arith.select %eq3A_35, %sub3A_37, %select_n3A_33 : i32
        %select_n3A_39 = arith.constant 0 : i32
        %select_n3A_40 = arith.constant -1 : i32
        %select_n3A_41 = arith.select %eq3A_35, %select_n3A_40, %select_n3A_39 : i32
        %eq3A_42 = arith.constant -1 : i32
        %eq3A_43 = arith.cmpi eq, %select_n3A_41, %eq3A_42 : i32
        %select_n3A_44 = arith.constant 7 : i32
        %select_n3A_45 = arith.select %eq3A_43, %select_n3A_44, %select_n3A_41 : i32
        %add3A_46 = arith.constant 0 : i32
        %add3A_47 = arith.addi %select_n3A_45, %add3A_46 : i32
        %add3A_48 = arith.addi %select_n3A_38, %select_n3A_14 : i32
        %select_n3A_49 = arith.constant true
        %select_n3A_50 = arith.constant 0 : i32
        %select_n3A_51 = arith.constant 1 : i32
        %select_n3A_52 = arith.select %select_n3A_49, %select_n3A_51, %select_n3A_50 : i32
        %eq3A_53 = arith.cmpi eq, %select_n3A_52, %select_n3A : i32
        %select_n3A_54 = arith.constant 0 : i32
        %select_n3A_55 = arith.select %eq3A_53, %select_n3A_54, %select_n3A_52 : i32
        %select_n3A_56 = arith.constant 0 : i32
        %select_n3A_57 = arith.constant 1 : i32
        %select_n3A_58 = arith.select %eq3A_53, %select_n3A_57, %select_n3A_56 : i32
        %eq3A_59 = arith.constant 8 : i32
        %eq3A_60 = arith.cmpi eq, %select_n3A_58, %eq3A_59 : i32
        %select_n3A_61 = arith.constant 0 : i32
        %select_n3A_62 = arith.select %eq3A_60, %select_n3A_61, %select_n3A_58 : i32
        %add3A_63 = arith.constant 0 : i32
        %add3A_64 = arith.addi %select_n3A_62, %add3A_63 : i32
        %add3A_65 = arith.addi %select_n3A_55, %select_n3A_14 : i32
        %add3A_66 = arith.constant 1 : i32
        %add3A_67 = arith.addi %select_n3A_55, %add3A_66 : i32
        %select_n3A_68 = arith.constant true
        %select_n3A_69 = arith.select %select_n3A_68, %add3A_67, %select_n3A_55 : i32
        %eq3A_70 = arith.cmpi eq, %select_n3A_69, %select_n3A : i32
        %select_n3A_71 = arith.constant 0 : i32
        %select_n3A_72 = arith.select %eq3A_70, %select_n3A_71, %select_n3A_69 : i32
        %add3A_73 = arith.constant 1 : i32
        %add3A_74 = arith.addi %select_n3A_62, %add3A_73 : i32
        %select_n3A_75 = arith.select %eq3A_70, %add3A_74, %select_n3A_62 : i32
        %eq3A_76 = arith.constant 8 : i32
        %eq3A_77 = arith.cmpi eq, %select_n3A_75, %eq3A_76 : i32
        %select_n3A_78 = arith.constant 0 : i32
        %select_n3A_79 = arith.select %eq3A_77, %select_n3A_78, %select_n3A_75 : i32
        %add3A_80 = arith.constant 0 : i32
        %add3A_81 = arith.addi %select_n3A_79, %add3A_80 : i32
        %add3A_82 = arith.addi %select_n3A_72, %select_n3A_14 : i32
        "tpu.trace_start"() <{level = 10 : i32, message = "ep_initialize_0"}> : () -> ()
        %rem3A = arith.constant 0 : i32
        %rem3A_83 = arith.constant 2 : i32
        %rem3A_84 = arith.remui %rem3A, %rem3A_83 : i32
        %mul3A_85 = arith.constant 128 : i32
        %mul3A_86 = arith.muli %mul3A_85, %add3A_29 : i32
        %eq3A_87 = arith.constant 781 : i32
        %eq3A_88 = arith.cmpi eq, %add3A_29, %eq3A_87 : i32
        %jit3A_89 = arith.constant 128 : i32
        %jit3A_90 = arith.constant 128 : i32
        %select_n3A_91 = arith.select %eq3A_88, %jit3A_89, %jit3A_90 : i32
        %multiple_of3A = tpu.assume_multiple %select_n3A_91, 128 : i32
        %mul3A_92 = arith.constant 128 : i32
        %mul3A_93 = arith.muli %add3A_29, %mul3A_92 : i32
        %dma_start3A = arith.constant 0 : i32
        %dma_start3A_94 = arith.constant 0 : i32
        %dma_start3A_95 = tpu.memref_slice %run_scoped3A[%rem3A_84, %dma_start3A, %dma_start3A_94] <%multiple_of3A> : memref<2x128x128xf32, #tpu.memory_space<vmem>> -> memref<1x128x?xf32, #tpu.memory_space<vmem>>
        %dma_start3A_96 = tpu.memref_squeeze %dma_start3A_95 : memref<1x128x?xf32, #tpu.memory_space<vmem>> -> memref<128x?xf32, #tpu.memory_space<vmem>>
        %dma_start3A_97 = arith.constant 0 : i32
        %dma_start3A_98 = tpu.memref_slice %arg2[%dma_start3A_97, %mul3A_93] <%multiple_of3A> : memref<1024x100000xf32, #tpu.memory_space<hbm>> -> memref<128x?xf32, #tpu.memory_space<hbm>>
        %dma_start3A_99 = tpu.memref_slice %run_scoped3A_17[%rem3A_84] : memref<2x!tpu.dma_semaphore, #tpu.memory_space<semaphore_mem>> -> memref<1x!tpu.dma_semaphore, #tpu.memory_space<semaphore_mem>>
        %dma_start3A_100 = tpu.memref_squeeze %dma_start3A_99 : memref<1x!tpu.dma_semaphore, #tpu.memory_space<semaphore_mem>> -> memref<!tpu.dma_semaphore, #tpu.memory_space<semaphore_mem>>
        %dma_start3A_101 = arith.constant 0 : i32
        %dma_start3A_102 = arith.constant 0 : i32
        %dma_start3A_103 = tpu.memref_slice %run_scoped3A[%rem3A_84, %dma_start3A_101, %dma_start3A_102] <%multiple_of3A> : memref<2x128x128xf32, #tpu.memory_space<vmem>> -> memref<1x128x?xf32, #tpu.memory_space<vmem>>
        %dma_start3A_104 = tpu.memref_squeeze %dma_start3A_103 : memref<1x128x?xf32, #tpu.memory_space<vmem>> -> memref<128x?xf32, #tpu.memory_space<vmem>>
        %dma_start3A_105 = arith.constant 0 : i32
        %dma_start3A_106 = tpu.memref_slice %arg2[%dma_start3A_105, %mul3A_93] <%multiple_of3A> : memref<1024x100000xf32, #tpu.memory_space<hbm>> -> memref<128x?xf32, #tpu.memory_space<hbm>>
        tpu.enqueue_dma source(%dma_start3A_106 : memref<128x?xf32, #tpu.memory_space<hbm>>) target(%dma_start3A_104 : memref<128x?xf32, #tpu.memory_space<vmem>>) target_semaphore(%dma_start3A_100 : memref<!tpu.dma_semaphore, #tpu.memory_space<semaphore_mem>>)
        %add3A_107 = arith.constant 0 : i32
        %add3A_108 = arith.constant 1 : i32
        %add3A_109 = arith.addi %add3A_107, %add3A_108 : i32
        %select_n3A_110 = arith.constant true
        %select_n3A_111 = arith.constant 0 : i32
        %select_n3A_112 = arith.select %select_n3A_110, %add3A_109, %select_n3A_111 : i32
        %rem3A_113 = arith.constant 0 : i32
        %rem3A_114 = arith.constant 2 : i32
        %rem3A_115 = arith.remui %rem3A_113, %rem3A_114 : i32
        %mul3A_116 = arith.constant 128 : i32
        %mul3A_117 = arith.muli %mul3A_116, %add3A_29 : i32
        %eq3A_118 = arith.constant 781 : i32
        %eq3A_119 = arith.cmpi eq, %add3A_29, %eq3A_118 : i32
        %jit3A_120 = arith.constant 128 : i32
        %jit3A_121 = arith.constant 128 : i32
        %select_n3A_122 = arith.select %eq3A_119, %jit3A_120, %jit3A_121 : i32
        %multiple_of3A_123 = tpu.assume_multiple %select_n3A_122, 128 : i32
        %mul3A_124 = arith.constant 128 : i32
        %mul3A_125 = arith.muli %add3A_29, %mul3A_124 : i32
        %dma_start3A_126 = arith.constant 0 : i32
        %dma_start3A_127 = arith.constant 0 : i32
        %dma_start3A_128 = tpu.memref_slice %run_scoped3A_18[%rem3A_115, %dma_start3A_126, %dma_start3A_127] <%multiple_of3A_123> : memref<2x1x128xf32, #tpu.memory_space<vmem>> -> memref<1x1x?xf32, #tpu.memory_space<vmem>>
        %dma_start3A_129 = tpu.memref_squeeze %dma_start3A_128 : memref<1x1x?xf32, #tpu.memory_space<vmem>> -> memref<1x?xf32, #tpu.memory_space<vmem>>
        %dma_start3A_130 = arith.constant 0 : i32
        %dma_start3A_131 = tpu.memref_slice %arg3[%dma_start3A_130, %mul3A_125] <%multiple_of3A_123> : memref<1x100000xf32, #tpu.memory_space<hbm>> -> memref<1x?xf32, #tpu.memory_space<hbm>>
        %dma_start3A_132 = tpu.memref_slice %run_scoped3A_19[%rem3A_115] : memref<2x!tpu.dma_semaphore, #tpu.memory_space<semaphore_mem>> -> memref<1x!tpu.dma_semaphore, #tpu.memory_space<semaphore_mem>>
        %dma_start3A_133 = tpu.memref_squeeze %dma_start3A_132 : memref<1x!tpu.dma_semaphore, #tpu.memory_space<semaphore_mem>> -> memref<!tpu.dma_semaphore, #tpu.memory_space<semaphore_mem>>
        %dma_start3A_134 = arith.constant 0 : i32
        %dma_start3A_135 = arith.constant 0 : i32
        %dma_start3A_136 = tpu.memref_slice %run_scoped3A_18[%rem3A_115, %dma_start3A_134, %dma_start3A_135] <%multiple_of3A_123> : memref<2x1x128xf32, #tpu.memory_space<vmem>> -> memref<1x1x?xf32, #tpu.memory_space<vmem>>
        %dma_start3A_137 = tpu.memref_squeeze %dma_start3A_136 : memref<1x1x?xf32, #tpu.memory_space<vmem>> -> memref<1x?xf32, #tpu.memory_space<vmem>>
        %dma_start3A_138 = arith.constant 0 : i32
        %dma_start3A_139 = tpu.memref_slice %arg3[%dma_start3A_138, %mul3A_125] <%multiple_of3A_123> : memref<1x100000xf32, #tpu.memory_space<hbm>> -> memref<1x?xf32, #tpu.memory_space<hbm>>
        tpu.enqueue_dma source(%dma_start3A_139 : memref<1x?xf32, #tpu.memory_space<hbm>>) target(%dma_start3A_137 : memref<1x?xf32, #tpu.memory_space<vmem>>) target_semaphore(%dma_start3A_133 : memref<!tpu.dma_semaphore, #tpu.memory_space<semaphore_mem>>)
        %add3A_140 = arith.constant 0 : i32
        %add3A_141 = arith.constant 1 : i32
        %add3A_142 = arith.addi %add3A_140, %add3A_141 : i32
        %select_n3A_143 = arith.constant true
        %select_n3A_144 = arith.constant 0 : i32
        %select_n3A_145 = arith.select %select_n3A_143, %add3A_142, %select_n3A_144 : i32
        %while3A = arith.constant 0 : i32
        %while3A_146 = arith.constant 0 : i32
        %while3A_147 = arith.constant 0 : i32
        %while3A_148 = arith.constant 0 : i32
        %while3A_149 = arith.constant 0 : i32
        %while3A_150 = arith.constant 0 : i32
        %while3A_151 = arith.constant 0 : i32
        "tpu.trace_stop"() : () -> ()
        %while3A_152 = arith.subi %mul3A_16, %while3A : i32
        %while3A_153 = arith.addi %while3A, %while3A_152 : i32
        %while3A_154 = arith.constant 1 : i32
        %while3A_155 = arith.divsi %while3A_152, %while3A_154 : i32
        %while3A_156 = arith.muli %while3A_155, %while3A_154 : i32
        %while3A_157 = arith.addi %while3A, %while3A_156 : i32
        %while3A_158 = arith.constant 1 : i32
        %while3A_159:8 = scf.for %while3A_252 = %while3A to %while3A_157 step %while3A_158 iter_args(%while3A_253 = %select_n3A_112, %while3A_254 = %while3A_146, %while3A_255 = %select_n3A_145, %while3A_256 = %while3A_147, %while3A_257 = %while3A_148, %while3A_258 = %while3A_149, %while3A_259 = %while3A_150, %while3A_260 = %while3A_151) -> (i32, i32, i32, i32, i32, i32, i32, i32)  : i32 {
          %mul3A_261 = arith.constant 8 : i32
          %mul3A_262 = arith.muli %mul3A_261, %select_n3A : i32
          %eq3A_263 = arith.constant 0 : i32
          %eq3A_264 = arith.cmpi eq, %while3A_252, %eq3A_263 : i32
          %sub3A_265 = arith.constant 1 : i32
          %sub3A_266 = arith.subi %mul3A_262, %sub3A_265 : i32
          %eq3A_267 = arith.cmpi eq, %while3A_252, %sub3A_266 : i32
          %add3A_268 = arith.constant 0 : i32
          %add3A_269 = arith.addi %while3A_259, %add3A_268 : i32
          %add3A_270 = arith.addi %while3A_260, %select_n3A_14 : i32
          %sub3A_271 = arith.constant 1 : i32
          %sub3A_272 = arith.subi %while3A_260, %sub3A_271 : i32
          %select_n3A_273 = arith.constant true
          %select_n3A_274 = arith.select %select_n3A_273, %sub3A_272, %while3A_260 : i32
          %eq3A_275 = arith.constant -1 : i32
          %eq3A_276 = arith.cmpi eq, %select_n3A_274, %eq3A_275 : i32
          %sub3A_277 = arith.constant 1 : i32
          %sub3A_278 = arith.subi %select_n3A, %sub3A_277 : i32
          %select_n3A_279 = arith.select %eq3A_276, %sub3A_278, %select_n3A_274 : i32
          %sub3A_280 = arith.constant 1 : i32
          %sub3A_281 = arith.subi %while3A_259, %sub3A_280 : i32
          %select_n3A_282 = arith.select %eq3A_276, %sub3A_281, %while3A_259 : i32
          %eq3A_283 = arith.constant -1 : i32
          %eq3A_284 = arith.cmpi eq, %select_n3A_282, %eq3A_283 : i32
          %select_n3A_285 = arith.constant 7 : i32
          %select_n3A_286 = arith.select %eq3A_284, %select_n3A_285, %select_n3A_282 : i32
          %add3A_287 = arith.constant 0 : i32
          %add3A_288 = arith.addi %select_n3A_286, %add3A_287 : i32
          %add3A_289 = arith.addi %select_n3A_279, %select_n3A_14 : i32
          %add3A_290 = arith.constant 1 : i32
          %add3A_291 = arith.addi %while3A_260, %add3A_290 : i32
          %select_n3A_292 = arith.constant true
          %select_n3A_293 = arith.select %select_n3A_292, %add3A_291, %while3A_260 : i32
          %eq3A_294 = arith.cmpi eq, %select_n3A_293, %select_n3A : i32
          %select_n3A_295 = arith.constant 0 : i32
          %select_n3A_296 = arith.select %eq3A_294, %select_n3A_295, %select_n3A_293 : i32
          %add3A_297 = arith.constant 1 : i32
          %add3A_298 = arith.addi %while3A_259, %add3A_297 : i32
          %select_n3A_299 = arith.select %eq3A_294, %add3A_298, %while3A_259 : i32
          %eq3A_300 = arith.constant 8 : i32
          %eq3A_301 = arith.cmpi eq, %select_n3A_299, %eq3A_300 : i32
          %select_n3A_302 = arith.constant 0 : i32
          %select_n3A_303 = arith.select %eq3A_301, %select_n3A_302, %select_n3A_299 : i32
          %add3A_304 = arith.constant 0 : i32
          %add3A_305 = arith.addi %select_n3A_303, %add3A_304 : i32
          %add3A_306 = arith.addi %select_n3A_296, %select_n3A_14 : i32
          %add3A_307 = arith.constant 1 : i32
          %add3A_308 = arith.addi %select_n3A_296, %add3A_307 : i32
          %select_n3A_309 = arith.constant true
          %select_n3A_310 = arith.select %select_n3A_309, %add3A_308, %select_n3A_296 : i32
          %eq3A_311 = arith.cmpi eq, %select_n3A_310, %select_n3A : i32
          %select_n3A_312 = arith.constant 0 : i32
          %select_n3A_313 = arith.select %eq3A_311, %select_n3A_312, %select_n3A_310 : i32
          %add3A_314 = arith.constant 1 : i32
          %add3A_315 = arith.addi %select_n3A_303, %add3A_314 : i32
          %select_n3A_316 = arith.select %eq3A_311, %add3A_315, %select_n3A_303 : i32
          %eq3A_317 = arith.constant 8 : i32
          %eq3A_318 = arith.cmpi eq, %select_n3A_316, %eq3A_317 : i32
          %select_n3A_319 = arith.constant 0 : i32
          %select_n3A_320 = arith.select %eq3A_318, %select_n3A_319, %select_n3A_316 : i32
          %add3A_321 = arith.constant 0 : i32
          %add3A_322 = arith.addi %select_n3A_320, %add3A_321 : i32
          %add3A_323 = arith.addi %select_n3A_313, %select_n3A_14 : i32
          %ne3A = arith.cmpi ne, %add3A_269, %add3A_305 : i32
          %ne3A_324 = arith.cmpi ne, %add3A_270, %add3A_306 : i32
          %or3A = arith.constant false
          %or3A_325 = arith.ori %or3A, %ne3A : i1
          %or3A_326 = arith.ori %or3A_325, %ne3A_324 : i1
          %sub3A_327 = arith.constant 2 : i32
          %sub3A_328 = arith.subi %mul3A_262, %sub3A_327 : i32
          %add3A_329 = arith.constant 1 : i32
          %add3A_330 = arith.addi %sub3A_328, %add3A_329 : i32
          %ge3A = arith.cmpi sge, %while3A_252, %add3A_330 : i32
          %not3A = arith.constant true
          %not3A_331 = arith.xori %ge3A, %not3A : i1
          %and3A = arith.andi %or3A_326, %not3A_331 : i1
          %convert_element_type3A_332 = arith.extui %and3A : i1 to i32
          %cond3A_333 = arith.constant 0 : i32
          %cond3A_334 = arith.cmpi ne, %convert_element_type3A_332, %cond3A_333 : i32
          scf.if %cond3A_334 {
            "tpu.trace_start"() <{level = 10 : i32, message = "ep_copy_in"}> : () -> ()
            %rem3A_511 = arith.constant 2 : i32
            %rem3A_512 = arith.remui %while3A_253, %rem3A_511 : i32
            %mul3A_513 = arith.constant 128 : i32
            %mul3A_514 = arith.muli %mul3A_513, %add3A_305 : i32
            %mul3A_515 = arith.constant 128 : i32
            %mul3A_516 = arith.muli %mul3A_515, %add3A_306 : i32
            %eq3A_517 = arith.constant 781 : i32
            %eq3A_518 = arith.cmpi eq, %add3A_306, %eq3A_517 : i32
            %jit3A_519 = arith.constant 128 : i32
            %jit3A_520 = arith.constant 128 : i32
            %select_n3A_521 = arith.select %eq3A_518, %jit3A_519, %jit3A_520 : i32
            %multiple_of3A_522 = tpu.assume_multiple %select_n3A_521, 128 : i32
            %mul3A_523 = arith.constant 128 : i32
            %mul3A_524 = arith.muli %add3A_306, %mul3A_523 : i32
            %dma_start3A_525 = arith.constant 0 : i32
            %dma_start3A_526 = arith.constant 0 : i32
            %dma_start3A_527 = tpu.memref_slice %run_scoped3A[%rem3A_512, %dma_start3A_525, %dma_start3A_526] <%multiple_of3A_522> : memref<2x128x128xf32, #tpu.memory_space<vmem>> -> memref<1x128x?xf32, #tpu.memory_space<vmem>>
            %dma_start3A_528 = tpu.memref_squeeze %dma_start3A_527 : memref<1x128x?xf32, #tpu.memory_space<vmem>> -> memref<128x?xf32, #tpu.memory_space<vmem>>
            %dma_start3A_529 = tpu.memref_slice %arg2[%mul3A_514, %mul3A_524] <%multiple_of3A_522> : memref<1024x100000xf32, #tpu.memory_space<hbm>> -> memref<128x?xf32, #tpu.memory_space<hbm>>
            %dma_start3A_530 = tpu.memref_slice %run_scoped3A_17[%rem3A_512] : memref<2x!tpu.dma_semaphore, #tpu.memory_space<semaphore_mem>> -> memref<1x!tpu.dma_semaphore, #tpu.memory_space<semaphore_mem>>
            %dma_start3A_531 = tpu.memref_squeeze %dma_start3A_530 : memref<1x!tpu.dma_semaphore, #tpu.memory_space<semaphore_mem>> -> memref<!tpu.dma_semaphore, #tpu.memory_space<semaphore_mem>>
            %dma_start3A_532 = arith.constant 0 : i32
            %dma_start3A_533 = arith.constant 0 : i32
            %dma_start3A_534 = tpu.memref_slice %run_scoped3A[%rem3A_512, %dma_start3A_532, %dma_start3A_533] <%multiple_of3A_522> : memref<2x128x128xf32, #tpu.memory_space<vmem>> -> memref<1x128x?xf32, #tpu.memory_space<vmem>>
            %dma_start3A_535 = tpu.memref_squeeze %dma_start3A_534 : memref<1x128x?xf32, #tpu.memory_space<vmem>> -> memref<128x?xf32, #tpu.memory_space<vmem>>
            %dma_start3A_536 = tpu.memref_slice %arg2[%mul3A_514, %mul3A_524] <%multiple_of3A_522> : memref<1024x100000xf32, #tpu.memory_space<hbm>> -> memref<128x?xf32, #tpu.memory_space<hbm>>
            tpu.enqueue_dma source(%dma_start3A_536 : memref<128x?xf32, #tpu.memory_space<hbm>>) target(%dma_start3A_535 : memref<128x?xf32, #tpu.memory_space<vmem>>) target_semaphore(%dma_start3A_531 : memref<!tpu.dma_semaphore, #tpu.memory_space<semaphore_mem>>)
            "tpu.trace_stop"() : () -> ()
          } else {
          }
          %and3A_335 = arith.constant true
          %and3A_336 = arith.andi %and3A, %and3A_335 : i1
          %add3A_337 = arith.constant 1 : i32
          %add3A_338 = arith.addi %while3A_253, %add3A_337 : i32
          %select_n3A_339 = arith.select %and3A_336, %add3A_338, %while3A_253 : i32
          %ne3A_340 = arith.cmpi ne, %add3A_270, %add3A_306 : i32
          %or3A_341 = arith.constant false
          %or3A_342 = arith.ori %or3A_341, %ne3A_340 : i1
          %sub3A_343 = arith.constant 2 : i32
          %sub3A_344 = arith.subi %mul3A_262, %sub3A_343 : i32
          %add3A_345 = arith.constant 1 : i32
          %add3A_346 = arith.addi %sub3A_344, %add3A_345 : i32
          %ge3A_347 = arith.cmpi sge, %while3A_252, %add3A_346 : i32
          %not3A_348 = arith.constant true
          %not3A_349 = arith.xori %ge3A_347, %not3A_348 : i1
          %and3A_350 = arith.andi %or3A_342, %not3A_349 : i1
          %convert_element_type3A_351 = arith.extui %and3A_350 : i1 to i32
          %cond3A_352 = arith.constant 0 : i32
          %cond3A_353 = arith.cmpi ne, %convert_element_type3A_351, %cond3A_352 : i32
          scf.if %cond3A_353 {
            "tpu.trace_start"() <{level = 10 : i32, message = "ep_copy_in"}> : () -> ()
            %rem3A_511 = arith.constant 2 : i32
            %rem3A_512 = arith.remui %while3A_255, %rem3A_511 : i32
            %mul3A_513 = arith.constant 128 : i32
            %mul3A_514 = arith.muli %mul3A_513, %add3A_306 : i32
            %eq3A_515 = arith.constant 781 : i32
            %eq3A_516 = arith.cmpi eq, %add3A_306, %eq3A_515 : i32
            %jit3A_517 = arith.constant 128 : i32
            %jit3A_518 = arith.constant 128 : i32
            %select_n3A_519 = arith.select %eq3A_516, %jit3A_517, %jit3A_518 : i32
            %multiple_of3A_520 = tpu.assume_multiple %select_n3A_519, 128 : i32
            %mul3A_521 = arith.constant 128 : i32
            %mul3A_522 = arith.muli %add3A_306, %mul3A_521 : i32
            %dma_start3A_523 = arith.constant 0 : i32
            %dma_start3A_524 = arith.constant 0 : i32
            %dma_start3A_525 = tpu.memref_slice %run_scoped3A_18[%rem3A_512, %dma_start3A_523, %dma_start3A_524] <%multiple_of3A_520> : memref<2x1x128xf32, #tpu.memory_space<vmem>> -> memref<1x1x?xf32, #tpu.memory_space<vmem>>
            %dma_start3A_526 = tpu.memref_squeeze %dma_start3A_525 : memref<1x1x?xf32, #tpu.memory_space<vmem>> -> memref<1x?xf32, #tpu.memory_space<vmem>>
            %dma_start3A_527 = arith.constant 0 : i32
            %dma_start3A_528 = tpu.memref_slice %arg3[%dma_start3A_527, %mul3A_522] <%multiple_of3A_520> : memref<1x100000xf32, #tpu.memory_space<hbm>> -> memref<1x?xf32, #tpu.memory_space<hbm>>
            %dma_start3A_529 = tpu.memref_slice %run_scoped3A_19[%rem3A_512] : memref<2x!tpu.dma_semaphore, #tpu.memory_space<semaphore_mem>> -> memref<1x!tpu.dma_semaphore, #tpu.memory_space<semaphore_mem>>
            %dma_start3A_530 = tpu.memref_squeeze %dma_start3A_529 : memref<1x!tpu.dma_semaphore, #tpu.memory_space<semaphore_mem>> -> memref<!tpu.dma_semaphore, #tpu.memory_space<semaphore_mem>>
            %dma_start3A_531 = arith.constant 0 : i32
            %dma_start3A_532 = arith.constant 0 : i32
            %dma_start3A_533 = tpu.memref_slice %run_scoped3A_18[%rem3A_512, %dma_start3A_531, %dma_start3A_532] <%multiple_of3A_520> : memref<2x1x128xf32, #tpu.memory_space<vmem>> -> memref<1x1x?xf32, #tpu.memory_space<vmem>>
            %dma_start3A_534 = tpu.memref_squeeze %dma_start3A_533 : memref<1x1x?xf32, #tpu.memory_space<vmem>> -> memref<1x?xf32, #tpu.memory_space<vmem>>
            %dma_start3A_535 = arith.constant 0 : i32
            %dma_start3A_536 = tpu.memref_slice %arg3[%dma_start3A_535, %mul3A_522] <%multiple_of3A_520> : memref<1x100000xf32, #tpu.memory_space<hbm>> -> memref<1x?xf32, #tpu.memory_space<hbm>>
            tpu.enqueue_dma source(%dma_start3A_536 : memref<1x?xf32, #tpu.memory_space<hbm>>) target(%dma_start3A_534 : memref<1x?xf32, #tpu.memory_space<vmem>>) target_semaphore(%dma_start3A_530 : memref<!tpu.dma_semaphore, #tpu.memory_space<semaphore_mem>>)
            "tpu.trace_stop"() : () -> ()
          } else {
          }
          %and3A_354 = arith.constant true
          %and3A_355 = arith.andi %and3A_350, %and3A_354 : i1
          %add3A_356 = arith.constant 1 : i32
          %add3A_357 = arith.addi %while3A_255, %add3A_356 : i32
          %select_n3A_358 = arith.select %and3A_355, %add3A_357, %while3A_255 : i32
          %ne3A_359 = arith.cmpi ne, %add3A_269, %add3A_305 : i32
          %ne3A_360 = arith.cmpi ne, %add3A_270, %add3A_306 : i32
          %or3A_361 = arith.constant false
          %or3A_362 = arith.ori %or3A_361, %ne3A_359 : i1
          %or3A_363 = arith.ori %or3A_362, %ne3A_360 : i1
          %sub3A_364 = arith.constant 2 : i32
          %sub3A_365 = arith.subi %mul3A_262, %sub3A_364 : i32
          %add3A_366 = arith.constant 1 : i32
          %add3A_367 = arith.addi %sub3A_365, %add3A_366 : i32
          %ge3A_368 = arith.cmpi sge, %while3A_252, %add3A_367 : i32
          %not3A_369 = arith.constant true
          %not3A_370 = arith.xori %ge3A_368, %not3A_369 : i1
          %and3A_371 = arith.andi %or3A_363, %not3A_370 : i1
          %ne3A_372 = arith.cmpi ne, %add3A_269, %add3A_288 : i32
          %ne3A_373 = arith.cmpi ne, %add3A_270, %add3A_289 : i32
          %or3A_374 = arith.constant false
          %or3A_375 = arith.ori %or3A_374, %ne3A_372 : i1
          %or3A_376 = arith.ori %or3A_375, %ne3A_373 : i1
          %or3A_377 = arith.ori %or3A_376, %eq3A_264 : i1
          %convert_element_type3A_378 = arith.extui %or3A_377 : i1 to i32
          %cond3A_379 = arith.constant 0 : i32
          %cond3A_380 = arith.cmpi ne, %convert_element_type3A_378, %cond3A_379 : i32
          scf.if %cond3A_380 {
            "tpu.trace_start"() <{level = 10 : i32, message = "ep_wait_in"}> : () -> ()
            %mul3A_511 = arith.constant 128 : i32
            %mul3A_512 = arith.muli %mul3A_511, %add3A_269 : i32
            %mul3A_513 = arith.constant 128 : i32
            %mul3A_514 = arith.muli %mul3A_513, %add3A_270 : i32
            %eq3A_515 = arith.constant 781 : i32
            %eq3A_516 = arith.cmpi eq, %add3A_270, %eq3A_515 : i32
            %jit3A_517 = arith.constant 128 : i32
            %jit3A_518 = arith.constant 128 : i32
            %select_n3A_519 = arith.select %eq3A_516, %jit3A_517, %jit3A_518 : i32
            %multiple_of3A_520 = tpu.assume_multiple %select_n3A_519, 128 : i32
            %mul3A_521 = arith.constant 128 : i32
            %mul3A_522 = arith.muli %add3A_270, %mul3A_521 : i32
            %rem3A_523 = arith.constant 2 : i32
            %rem3A_524 = arith.remui %while3A_254, %rem3A_523 : i32
            %dma_wait3A = arith.constant 0 : i32
            %dma_wait3A_525 = arith.constant 0 : i32
            %dma_wait3A_526 = tpu.memref_slice %run_scoped3A[%rem3A_524, %dma_wait3A, %dma_wait3A_525] <%multiple_of3A_520> : memref<2x128x128xf32, #tpu.memory_space<vmem>> -> memref<1x128x?xf32, #tpu.memory_space<vmem>>
            %dma_wait3A_527 = tpu.memref_squeeze %dma_wait3A_526 : memref<1x128x?xf32, #tpu.memory_space<vmem>> -> memref<128x?xf32, #tpu.memory_space<vmem>>
            %dma_wait3A_528 = tpu.memref_slice %arg2[%mul3A_512, %mul3A_522] <%multiple_of3A_520> : memref<1024x100000xf32, #tpu.memory_space<hbm>> -> memref<128x?xf32, #tpu.memory_space<hbm>>
            %dma_wait3A_529 = tpu.memref_slice %run_scoped3A_17[%rem3A_524] : memref<2x!tpu.dma_semaphore, #tpu.memory_space<semaphore_mem>> -> memref<1x!tpu.dma_semaphore, #tpu.memory_space<semaphore_mem>>
            %dma_wait3A_530 = tpu.memref_squeeze %dma_wait3A_529 : memref<1x!tpu.dma_semaphore, #tpu.memory_space<semaphore_mem>> -> memref<!tpu.dma_semaphore, #tpu.memory_space<semaphore_mem>>
            %dma_wait3A_531 = arith.constant 0 : i32
            %dma_wait3A_532 = arith.constant 0 : i32
            %dma_wait3A_533 = tpu.memref_slice %run_scoped3A[%rem3A_524, %dma_wait3A_531, %dma_wait3A_532] <%multiple_of3A_520> : memref<2x128x128xf32, #tpu.memory_space<vmem>> -> memref<1x128x?xf32, #tpu.memory_space<vmem>>
            %dma_wait3A_534 = tpu.memref_squeeze %dma_wait3A_533 : memref<1x128x?xf32, #tpu.memory_space<vmem>> -> memref<128x?xf32, #tpu.memory_space<vmem>>
            %dma_wait3A_535 = tpu.memref_slice %arg2[%mul3A_512, %mul3A_522] <%multiple_of3A_520> : memref<1024x100000xf32, #tpu.memory_space<hbm>> -> memref<128x?xf32, #tpu.memory_space<hbm>>
            tpu.wait_dma2 semaphore(%dma_wait3A_530 : memref<!tpu.dma_semaphore, #tpu.memory_space<semaphore_mem>>) src(%dma_wait3A_535 : memref<128x?xf32, #tpu.memory_space<hbm>>) dst(%dma_wait3A_534 : memref<128x?xf32, #tpu.memory_space<vmem>>)
            "tpu.trace_stop"() : () -> ()
          } else {
          }
          %ne3A_381 = arith.cmpi ne, %add3A_270, %add3A_289 : i32
          %or3A_382 = arith.constant false
          %or3A_383 = arith.ori %or3A_382, %ne3A_381 : i1
          %or3A_384 = arith.ori %or3A_383, %eq3A_264 : i1
          %convert_element_type3A_385 = arith.extui %or3A_384 : i1 to i32
          %cond3A_386 = arith.constant 0 : i32
          %cond3A_387 = arith.cmpi ne, %convert_element_type3A_385, %cond3A_386 : i32
          scf.if %cond3A_387 {
            "tpu.trace_start"() <{level = 10 : i32, message = "ep_wait_in"}> : () -> ()
            %mul3A_511 = arith.constant 128 : i32
            %mul3A_512 = arith.muli %mul3A_511, %add3A_270 : i32
            %eq3A_513 = arith.constant 781 : i32
            %eq3A_514 = arith.cmpi eq, %add3A_270, %eq3A_513 : i32
            %jit3A_515 = arith.constant 128 : i32
            %jit3A_516 = arith.constant 128 : i32
            %select_n3A_517 = arith.select %eq3A_514, %jit3A_515, %jit3A_516 : i32
            %multiple_of3A_518 = tpu.assume_multiple %select_n3A_517, 128 : i32
            %mul3A_519 = arith.constant 128 : i32
            %mul3A_520 = arith.muli %add3A_270, %mul3A_519 : i32
            %rem3A_521 = arith.constant 2 : i32
            %rem3A_522 = arith.remui %while3A_256, %rem3A_521 : i32
            %dma_wait3A = arith.constant 0 : i32
            %dma_wait3A_523 = arith.constant 0 : i32
            %dma_wait3A_524 = tpu.memref_slice %run_scoped3A_18[%rem3A_522, %dma_wait3A, %dma_wait3A_523] <%multiple_of3A_518> : memref<2x1x128xf32, #tpu.memory_space<vmem>> -> memref<1x1x?xf32, #tpu.memory_space<vmem>>
            %dma_wait3A_525 = tpu.memref_squeeze %dma_wait3A_524 : memref<1x1x?xf32, #tpu.memory_space<vmem>> -> memref<1x?xf32, #tpu.memory_space<vmem>>
            %dma_wait3A_526 = arith.constant 0 : i32
            %dma_wait3A_527 = tpu.memref_slice %arg3[%dma_wait3A_526, %mul3A_520] <%multiple_of3A_518> : memref<1x100000xf32, #tpu.memory_space<hbm>> -> memref<1x?xf32, #tpu.memory_space<hbm>>
            %dma_wait3A_528 = tpu.memref_slice %run_scoped3A_19[%rem3A_522] : memref<2x!tpu.dma_semaphore, #tpu.memory_space<semaphore_mem>> -> memref<1x!tpu.dma_semaphore, #tpu.memory_space<semaphore_mem>>
            %dma_wait3A_529 = tpu.memref_squeeze %dma_wait3A_528 : memref<1x!tpu.dma_semaphore, #tpu.memory_space<semaphore_mem>> -> memref<!tpu.dma_semaphore, #tpu.memory_space<semaphore_mem>>
            %dma_wait3A_530 = arith.constant 0 : i32
            %dma_wait3A_531 = arith.constant 0 : i32
            %dma_wait3A_532 = tpu.memref_slice %run_scoped3A_18[%rem3A_522, %dma_wait3A_530, %dma_wait3A_531] <%multiple_of3A_518> : memref<2x1x128xf32, #tpu.memory_space<vmem>> -> memref<1x1x?xf32, #tpu.memory_space<vmem>>
            %dma_wait3A_533 = tpu.memref_squeeze %dma_wait3A_532 : memref<1x1x?xf32, #tpu.memory_space<vmem>> -> memref<1x?xf32, #tpu.memory_space<vmem>>
            %dma_wait3A_534 = arith.constant 0 : i32
            %dma_wait3A_535 = tpu.memref_slice %arg3[%dma_wait3A_534, %mul3A_520] <%multiple_of3A_518> : memref<1x100000xf32, #tpu.memory_space<hbm>> -> memref<1x?xf32, #tpu.memory_space<hbm>>
            tpu.wait_dma2 semaphore(%dma_wait3A_529 : memref<!tpu.dma_semaphore, #tpu.memory_space<semaphore_mem>>) src(%dma_wait3A_535 : memref<1x?xf32, #tpu.memory_space<hbm>>) dst(%dma_wait3A_533 : memref<1x?xf32, #tpu.memory_space<vmem>>)
            "tpu.trace_stop"() : () -> ()
          } else {
          }
          %ne3A_388 = arith.cmpi ne, %add3A_269, %add3A_288 : i32
          %ne3A_389 = arith.cmpi ne, %add3A_270, %add3A_289 : i32
          %or3A_390 = arith.constant false
          %or3A_391 = arith.ori %or3A_390, %ne3A_388 : i1
          %or3A_392 = arith.ori %or3A_391, %ne3A_389 : i1
          %or3A_393 = arith.ori %or3A_392, %eq3A_264 : i1
          %convert_element_type3A_394 = arith.extui %or3A_393 : i1 to i32
          %cond3A_395 = arith.constant 0 : i32
          %cond3A_396 = arith.cmpi ne, %convert_element_type3A_394, %cond3A_395 : i32
          scf.if %cond3A_396 {
          } else {
          }
          %rem3A_397 = arith.constant 2 : i32
          %rem3A_398 = arith.remui %while3A_254, %rem3A_397 : i32
          %rem3A_399 = arith.constant 2 : i32
          %rem3A_400 = arith.remui %while3A_256, %rem3A_399 : i32
          %rem3A_401 = arith.constant 2 : i32
          %rem3A_402 = arith.remui %while3A_257, %rem3A_401 : i32
          "tpu.trace_start"() <{level = 10 : i32, message = "ep_run_kernel"}> : () -> ()
          %scan3A = arith.constant 0 : i32
          %scan3A_403 = arith.constant 8 : i32
          %scan3A_404 = arith.addi %scan3A, %scan3A_403 : i32
          %scan3A_405 = arith.constant 1 : i32
          scf.for %scan3A_511 = %scan3A to %scan3A_404 step %scan3A_405  : i32 {
            %mul3A_512 = arith.constant 16 : i32
            %mul3A_513 = arith.muli %scan3A_511, %mul3A_512 : i32
            %add3A_514 = arith.constant 0 : i32
            %add3A_515 = arith.addi %add3A_514, %mul3A_513 : i32
            %get3A = arith.constant 0 : i32
            %get3A_516 = arith.constant 0 : i32
            %get3A_517 = arith.constant 0 : i32
            %get3A_518 = tpu.memref_slice %run_scoped3A_18[%rem3A_400, %get3A_516, %get3A_517] : memref<2x1x128xf32, #tpu.memory_space<vmem>> -> memref<1x1x128xf32, #tpu.memory_space<vmem>>
            %get3A_519 = tpu.memref_squeeze %get3A_518 : memref<1x1x128xf32, #tpu.memory_space<vmem>> -> memref<1x128xf32, #tpu.memory_space<vmem>>
            %get3A_520 = arith.index_cast %get3A : i32 to index
            %get3A_521 = arith.index_cast %add3A_515 : i32 to index
            %get3A_522 = tpu.vector_load %get3A_519[%get3A_520, %get3A_521] {strides = array<i32>} : memref<1x128xf32, #tpu.memory_space<vmem>>, vector<1x16xf32>,
            %get3A_523 = vector.shape_cast %get3A_522 : vector<1x16xf32> to vector<16xf32>
            %scan3A_524 = arith.constant 0 : i32
            %scan3A_525 = arith.constant 128 : i32
            %scan3A_526 = arith.addi %scan3A_524, %scan3A_525 : i32
            %scan3A_527 = arith.constant 16 : i32
            scf.for %scan3A_529 = %scan3A_524 to %scan3A_526 step %scan3A_527  : i32 {
              %mul3A_530 = arith.constant 1 : i32
              %mul3A_531 = arith.muli %scan3A_529, %mul3A_530 : i32
              %add3A_532 = arith.constant 0 : i32
              %add3A_533 = arith.addi %add3A_532, %mul3A_531 : i32
              %get3A_534 = arith.constant 0 : i32
              %get3A_535 = arith.constant 0 : i32
              %get3A_536 = tpu.memref_slice %run_scoped3A[%rem3A_398, %get3A_534, %get3A_535] : memref<2x128x128xf32, #tpu.memory_space<vmem>> -> memref<1x128x128xf32, #tpu.memory_space<vmem>>
              %get3A_537 = tpu.memref_squeeze %get3A_536 : memref<1x128x128xf32, #tpu.memory_space<vmem>> -> memref<128x128xf32, #tpu.memory_space<vmem>>
              %get3A_538 = arith.index_cast %add3A_533 : i32 to index
              %get3A_539 = arith.index_cast %add3A_515 : i32 to index
              %get3A_540 = tpu.vector_load %get3A_537[%get3A_538, %get3A_539] {strides = array<i32>} : memref<128x128xf32, #tpu.memory_space<vmem>>, vector<1x16xf32>,
              %get3A_541 = vector.shape_cast %get3A_540 : vector<1x16xf32> to vector<16xf32>
              %add3A_542 = arith.addf %get3A_541, %get3A_523 : vector<16xf32>
              %swap3A = arith.constant 0 : i32
              %swap3A_543 = arith.constant 0 : i32
              %swap3A_544 = tpu.memref_slice %run_scoped3A_20[%rem3A_402, %swap3A, %swap3A_543] : memref<2x128x128xf32, #tpu.memory_space<vmem>> -> memref<1x128x128xf32, #tpu.memory_space<vmem>>
              %swap3A_545 = tpu.memref_squeeze %swap3A_544 : memref<1x128x128xf32, #tpu.memory_space<vmem>> -> memref<128x128xf32, #tpu.memory_space<vmem>>
              %swap3A_546 = arith.index_cast %add3A_533 : i32 to index
              %swap3A_547 = arith.index_cast %add3A_515 : i32 to index
              %swap3A_548 = tpu.vector_load %swap3A_545[%swap3A_546, %swap3A_547] {strides = array<i32>} : memref<128x128xf32, #tpu.memory_space<vmem>>, vector<1x16xf32>,
              %swap3A_549 = vector.shape_cast %swap3A_548 : vector<1x16xf32> to vector<16xf32>
              %swap3A_550 = vector.shape_cast %add3A_542 : vector<16xf32> to vector<1x16xf32>
              tpu.vector_store %swap3A_545[%swap3A_546, %swap3A_547], %swap3A_550 {strides = array<i32>} : memref<128x128xf32, #tpu.memory_space<vmem>>, vector<1x16xf32>,
              %scan3A_551 = arith.constant 1 : i32
              %scan3A_552 = arith.addi %scan3A_529, %scan3A_551 : i32
              %mul3A_553 = arith.constant 1 : i32
              %mul3A_554 = arith.muli %scan3A_552, %mul3A_553 : i32
              %add3A_555 = arith.constant 0 : i32
              %add3A_556 = arith.addi %add3A_555, %mul3A_554 : i32
              %get3A_557 = arith.constant 0 : i32
              %get3A_558 = arith.constant 0 : i32
              %get3A_559 = tpu.memref_slice %run_scoped3A[%rem3A_398, %get3A_557, %get3A_558] : memref<2x128x128xf32, #tpu.memory_space<vmem>> -> memref<1x128x128xf32, #tpu.memory_space<vmem>>
              %get3A_560 = tpu.memref_squeeze %get3A_559 : memref<1x128x128xf32, #tpu.memory_space<vmem>> -> memref<128x128xf32, #tpu.memory_space<vmem>>
              %get3A_561 = arith.index_cast %add3A_556 : i32 to index
              %get3A_562 = arith.index_cast %add3A_515 : i32 to index
              %get3A_563 = tpu.vector_load %get3A_560[%get3A_561, %get3A_562] {strides = array<i32>} : memref<128x128xf32, #tpu.memory_space<vmem>>, vector<1x16xf32>,
              %get3A_564 = vector.shape_cast %get3A_563 : vector<1x16xf32> to vector<16xf32>
              %add3A_565 = arith.addf %get3A_564, %get3A_523 : vector<16xf32>
              %swap3A_566 = arith.constant 0 : i32
              %swap3A_567 = arith.constant 0 : i32
              %swap3A_568 = tpu.memref_slice %run_scoped3A_20[%rem3A_402, %swap3A_566, %swap3A_567] : memref<2x128x128xf32, #tpu.memory_space<vmem>> -> memref<1x128x128xf32, #tpu.memory_space<vmem>>
              %swap3A_569 = tpu.memref_squeeze %swap3A_568 : memref<1x128x128xf32, #tpu.memory_space<vmem>> -> memref<128x128xf32, #tpu.memory_space<vmem>>
              %swap3A_570 = arith.index_cast %add3A_556 : i32 to index
              %swap3A_571 = arith.index_cast %add3A_515 : i32 to index
              %swap3A_572 = tpu.vector_load %swap3A_569[%swap3A_570, %swap3A_571] {strides = array<i32>} : memref<128x128xf32, #tpu.memory_space<vmem>>, vector<1x16xf32>,
              %swap3A_573 = vector.shape_cast %swap3A_572 : vector<1x16xf32> to vector<16xf32>
              %swap3A_574 = vector.shape_cast %add3A_565 : vector<16xf32> to vector<1x16xf32>
              tpu.vector_store %swap3A_569[%swap3A_570, %swap3A_571], %swap3A_574 {strides = array<i32>} : memref<128x128xf32, #tpu.memory_space<vmem>>, vector<1x16xf32>,
              %scan3A_575 = arith.constant 2 : i32
              %scan3A_576 = arith.addi %scan3A_529, %scan3A_575 : i32
              %mul3A_577 = arith.constant 1 : i32
              %mul3A_578 = arith.muli %scan3A_576, %mul3A_577 : i32
              %add3A_579 = arith.constant 0 : i32
              %add3A_580 = arith.addi %add3A_579, %mul3A_578 : i32
              %get3A_581 = arith.constant 0 : i32
              %get3A_582 = arith.constant 0 : i32
              %get3A_583 = tpu.memref_slice %run_scoped3A[%rem3A_398, %get3A_581, %get3A_582] : memref<2x128x128xf32, #tpu.memory_space<vmem>> -> memref<1x128x128xf32, #tpu.memory_space<vmem>>
              %get3A_584 = tpu.memref_squeeze %get3A_583 : memref<1x128x128xf32, #tpu.memory_space<vmem>> -> memref<128x128xf32, #tpu.memory_space<vmem>>
              %get3A_585 = arith.index_cast %add3A_580 : i32 to index
              %get3A_586 = arith.index_cast %add3A_515 : i32 to index
              %get3A_587 = tpu.vector_load %get3A_584[%get3A_585, %get3A_586] {strides = array<i32>} : memref<128x128xf32, #tpu.memory_space<vmem>>, vector<1x16xf32>,
              %get3A_588 = vector.shape_cast %get3A_587 : vector<1x16xf32> to vector<16xf32>
              %add3A_589 = arith.addf %get3A_588, %get3A_523 : vector<16xf32>
              %swap3A_590 = arith.constant 0 : i32
              %swap3A_591 = arith.constant 0 : i32
              %swap3A_592 = tpu.memref_slice %run_scoped3A_20[%rem3A_402, %swap3A_590, %swap3A_591] : memref<2x128x128xf32, #tpu.memory_space<vmem>> -> memref<1x128x128xf32, #tpu.memory_space<vmem>>
              %swap3A_593 = tpu.memref_squeeze %swap3A_592 : memref<1x128x128xf32, #tpu.memory_space<vmem>> -> memref<128x128xf32, #tpu.memory_space<vmem>>
              %swap3A_594 = arith.index_cast %add3A_580 : i32 to index
              %swap3A_595 = arith.index_cast %add3A_515 : i32 to index
              %swap3A_596 = tpu.vector_load %swap3A_593[%swap3A_594, %swap3A_595] {strides = array<i32>} : memref<128x128xf32, #tpu.memory_space<vmem>>, vector<1x16xf32>,
              %swap3A_597 = vector.shape_cast %swap3A_596 : vector<1x16xf32> to vector<16xf32>
              %swap3A_598 = vector.shape_cast %add3A_589 : vector<16xf32> to vector<1x16xf32>
              tpu.vector_store %swap3A_593[%swap3A_594, %swap3A_595], %swap3A_598 {strides = array<i32>} : memref<128x128xf32, #tpu.memory_space<vmem>>, vector<1x16xf32>,
              %scan3A_599 = arith.constant 3 : i32
              %scan3A_600 = arith.addi %scan3A_529, %scan3A_599 : i32
              %mul3A_601 = arith.constant 1 : i32
              %mul3A_602 = arith.muli %scan3A_600, %mul3A_601 : i32
              %add3A_603 = arith.constant 0 : i32
              %add3A_604 = arith.addi %add3A_603, %mul3A_602 : i32
              %get3A_605 = arith.constant 0 : i32
              %get3A_606 = arith.constant 0 : i32
              %get3A_607 = tpu.memref_slice %run_scoped3A[%rem3A_398, %get3A_605, %get3A_606] : memref<2x128x128xf32, #tpu.memory_space<vmem>> -> memref<1x128x128xf32, #tpu.memory_space<vmem>>
              %get3A_608 = tpu.memref_squeeze %get3A_607 : memref<1x128x128xf32, #tpu.memory_space<vmem>> -> memref<128x128xf32, #tpu.memory_space<vmem>>
              %get3A_609 = arith.index_cast %add3A_604 : i32 to index
              %get3A_610 = arith.index_cast %add3A_515 : i32 to index
              %get3A_611 = tpu.vector_load %get3A_608[%get3A_609, %get3A_610] {strides = array<i32>} : memref<128x128xf32, #tpu.memory_space<vmem>>, vector<1x16xf32>,
              %get3A_612 = vector.shape_cast %get3A_611 : vector<1x16xf32> to vector<16xf32>
              %add3A_613 = arith.addf %get3A_612, %get3A_523 : vector<16xf32>
              %swap3A_614 = arith.constant 0 : i32
              %swap3A_615 = arith.constant 0 : i32
              %swap3A_616 = tpu.memref_slice %run_scoped3A_20[%rem3A_402, %swap3A_614, %swap3A_615] : memref<2x128x128xf32, #tpu.memory_space<vmem>> -> memref<1x128x128xf32, #tpu.memory_space<vmem>>
              %swap3A_617 = tpu.memref_squeeze %swap3A_616 : memref<1x128x128xf32, #tpu.memory_space<vmem>> -> memref<128x128xf32, #tpu.memory_space<vmem>>
              %swap3A_618 = arith.index_cast %add3A_604 : i32 to index
              %swap3A_619 = arith.index_cast %add3A_515 : i32 to index
              %swap3A_620 = tpu.vector_load %swap3A_617[%swap3A_618, %swap3A_619] {strides = array<i32>} : memref<128x128xf32, #tpu.memory_space<vmem>>, vector<1x16xf32>,
              %swap3A_621 = vector.shape_cast %swap3A_620 : vector<1x16xf32> to vector<16xf32>
              %swap3A_622 = vector.shape_cast %add3A_613 : vector<16xf32> to vector<1x16xf32>
              tpu.vector_store %swap3A_617[%swap3A_618, %swap3A_619], %swap3A_622 {strides = array<i32>} : memref<128x128xf32, #tpu.memory_space<vmem>>, vector<1x16xf32>,
              %scan3A_623 = arith.constant 4 : i32
              %scan3A_624 = arith.addi %scan3A_529, %scan3A_623 : i32
              %mul3A_625 = arith.constant 1 : i32
              %mul3A_626 = arith.muli %scan3A_624, %mul3A_625 : i32
              %add3A_627 = arith.constant 0 : i32
              %add3A_628 = arith.addi %add3A_627, %mul3A_626 : i32
              %get3A_629 = arith.constant 0 : i32
              %get3A_630 = arith.constant 0 : i32
              %get3A_631 = tpu.memref_slice %run_scoped3A[%rem3A_398, %get3A_629, %get3A_630] : memref<2x128x128xf32, #tpu.memory_space<vmem>> -> memref<1x128x128xf32, #tpu.memory_space<vmem>>
              %get3A_632 = tpu.memref_squeeze %get3A_631 : memref<1x128x128xf32, #tpu.memory_space<vmem>> -> memref<128x128xf32, #tpu.memory_space<vmem>>
              %get3A_633 = arith.index_cast %add3A_628 : i32 to index
              %get3A_634 = arith.index_cast %add3A_515 : i32 to index
              %get3A_635 = tpu.vector_load %get3A_632[%get3A_633, %get3A_634] {strides = array<i32>} : memref<128x128xf32, #tpu.memory_space<vmem>>, vector<1x16xf32>,
              %get3A_636 = vector.shape_cast %get3A_635 : vector<1x16xf32> to vector<16xf32>
              %add3A_637 = arith.addf %get3A_636, %get3A_523 : vector<16xf32>
              %swap3A_638 = arith.constant 0 : i32
              %swap3A_639 = arith.constant 0 : i32
              %swap3A_640 = tpu.memref_slice %run_scoped3A_20[%rem3A_402, %swap3A_638, %swap3A_639] : memref<2x128x128xf32, #tpu.memory_space<vmem>> -> memref<1x128x128xf32, #tpu.memory_space<vmem>>
              %swap3A_641 = tpu.memref_squeeze %swap3A_640 : memref<1x128x128xf32, #tpu.memory_space<vmem>> -> memref<128x128xf32, #tpu.memory_space<vmem>>
              %swap3A_642 = arith.index_cast %add3A_628 : i32 to index
              %swap3A_643 = arith.index_cast %add3A_515 : i32 to index
              %swap3A_644 = tpu.vector_load %swap3A_641[%swap3A_642, %swap3A_643] {strides = array<i32>} : memref<128x128xf32, #tpu.memory_space<vmem>>, vector<1x16xf32>,
              %swap3A_645 = vector.shape_cast %swap3A_644 : vector<1x16xf32> to vector<16xf32>
              %swap3A_646 = vector.shape_cast %add3A_637 : vector<16xf32> to vector<1x16xf32>
              tpu.vector_store %swap3A_641[%swap3A_642, %swap3A_643], %swap3A_646 {strides = array<i32>} : memref<128x128xf32, #tpu.memory_space<vmem>>, vector<1x16xf32>,
              %scan3A_647 = arith.constant 5 : i32
              %scan3A_648 = arith.addi %scan3A_529, %scan3A_647 : i32
              %mul3A_649 = arith.constant 1 : i32
              %mul3A_650 = arith.muli %scan3A_648, %mul3A_649 : i32
              %add3A_651 = arith.constant 0 : i32
              %add3A_652 = arith.addi %add3A_651, %mul3A_650 : i32
              %get3A_653 = arith.constant 0 : i32
              %get3A_654 = arith.constant 0 : i32
              %get3A_655 = tpu.memref_slice %run_scoped3A[%rem3A_398, %get3A_653, %get3A_654] : memref<2x128x128xf32, #tpu.memory_space<vmem>> -> memref<1x128x128xf32, #tpu.memory_space<vmem>>
              %get3A_656 = tpu.memref_squeeze %get3A_655 : memref<1x128x128xf32, #tpu.memory_space<vmem>> -> memref<128x128xf32, #tpu.memory_space<vmem>>
              %get3A_657 = arith.index_cast %add3A_652 : i32 to index
              %get3A_658 = arith.index_cast %add3A_515 : i32 to index
              %get3A_659 = tpu.vector_load %get3A_656[%get3A_657, %get3A_658] {strides = array<i32>} : memref<128x128xf32, #tpu.memory_space<vmem>>, vector<1x16xf32>,
              %get3A_660 = vector.shape_cast %get3A_659 : vector<1x16xf32> to vector<16xf32>
              %add3A_661 = arith.addf %get3A_660, %get3A_523 : vector<16xf32>
              %swap3A_662 = arith.constant 0 : i32
              %swap3A_663 = arith.constant 0 : i32
              %swap3A_664 = tpu.memref_slice %run_scoped3A_20[%rem3A_402, %swap3A_662, %swap3A_663] : memref<2x128x128xf32, #tpu.memory_space<vmem>> -> memref<1x128x128xf32, #tpu.memory_space<vmem>>
              %swap3A_665 = tpu.memref_squeeze %swap3A_664 : memref<1x128x128xf32, #tpu.memory_space<vmem>> -> memref<128x128xf32, #tpu.memory_space<vmem>>
              %swap3A_666 = arith.index_cast %add3A_652 : i32 to index
              %swap3A_667 = arith.index_cast %add3A_515 : i32 to index
              %swap3A_668 = tpu.vector_load %swap3A_665[%swap3A_666, %swap3A_667] {strides = array<i32>} : memref<128x128xf32, #tpu.memory_space<vmem>>, vector<1x16xf32>,
              %swap3A_669 = vector.shape_cast %swap3A_668 : vector<1x16xf32> to vector<16xf32>
              %swap3A_670 = vector.shape_cast %add3A_661 : vector<16xf32> to vector<1x16xf32>
              tpu.vector_store %swap3A_665[%swap3A_666, %swap3A_667], %swap3A_670 {strides = array<i32>} : memref<128x128xf32, #tpu.memory_space<vmem>>, vector<1x16xf32>,
              %scan3A_671 = arith.constant 6 : i32
              %scan3A_672 = arith.addi %scan3A_529, %scan3A_671 : i32
              %mul3A_673 = arith.constant 1 : i32
              %mul3A_674 = arith.muli %scan3A_672, %mul3A_673 : i32
              %add3A_675 = arith.constant 0 : i32
              %add3A_676 = arith.addi %add3A_675, %mul3A_674 : i32
              %get3A_677 = arith.constant 0 : i32
              %get3A_678 = arith.constant 0 : i32
              %get3A_679 = tpu.memref_slice %run_scoped3A[%rem3A_398, %get3A_677, %get3A_678] : memref<2x128x128xf32, #tpu.memory_space<vmem>> -> memref<1x128x128xf32, #tpu.memory_space<vmem>>
              %get3A_680 = tpu.memref_squeeze %get3A_679 : memref<1x128x128xf32, #tpu.memory_space<vmem>> -> memref<128x128xf32, #tpu.memory_space<vmem>>
              %get3A_681 = arith.index_cast %add3A_676 : i32 to index
              %get3A_682 = arith.index_cast %add3A_515 : i32 to index
              %get3A_683 = tpu.vector_load %get3A_680[%get3A_681, %get3A_682] {strides = array<i32>} : memref<128x128xf32, #tpu.memory_space<vmem>>, vector<1x16xf32>,
              %get3A_684 = vector.shape_cast %get3A_683 : vector<1x16xf32> to vector<16xf32>
              %add3A_685 = arith.addf %get3A_684, %get3A_523 : vector<16xf32>
              %swap3A_686 = arith.constant 0 : i32
              %swap3A_687 = arith.constant 0 : i32
              %swap3A_688 = tpu.memref_slice %run_scoped3A_20[%rem3A_402, %swap3A_686, %swap3A_687] : memref<2x128x128xf32, #tpu.memory_space<vmem>> -> memref<1x128x128xf32, #tpu.memory_space<vmem>>
              %swap3A_689 = tpu.memref_squeeze %swap3A_688 : memref<1x128x128xf32, #tpu.memory_space<vmem>> -> memref<128x128xf32, #tpu.memory_space<vmem>>
              %swap3A_690 = arith.index_cast %add3A_676 : i32 to index
              %swap3A_691 = arith.index_cast %add3A_515 : i32 to index
              %swap3A_692 = tpu.vector_load %swap3A_689[%swap3A_690, %swap3A_691] {strides = array<i32>} : memref<128x128xf32, #tpu.memory_space<vmem>>, vector<1x16xf32>,
              %swap3A_693 = vector.shape_cast %swap3A_692 : vector<1x16xf32> to vector<16xf32>
              %swap3A_694 = vector.shape_cast %add3A_685 : vector<16xf32> to vector<1x16xf32>
              tpu.vector_store %swap3A_689[%swap3A_690, %swap3A_691], %swap3A_694 {strides = array<i32>} : memref<128x128xf32, #tpu.memory_space<vmem>>, vector<1x16xf32>,
              %scan3A_695 = arith.constant 7 : i32
              %scan3A_696 = arith.addi %scan3A_529, %scan3A_695 : i32
              %mul3A_697 = arith.constant 1 : i32
              %mul3A_698 = arith.muli %scan3A_696, %mul3A_697 : i32
              %add3A_699 = arith.constant 0 : i32
              %add3A_700 = arith.addi %add3A_699, %mul3A_698 : i32
              %get3A_701 = arith.constant 0 : i32
              %get3A_702 = arith.constant 0 : i32
              %get3A_703 = tpu.memref_slice %run_scoped3A[%rem3A_398, %get3A_701, %get3A_702] : memref<2x128x128xf32, #tpu.memory_space<vmem>> -> memref<1x128x128xf32, #tpu.memory_space<vmem>>
              %get3A_704 = tpu.memref_squeeze %get3A_703 : memref<1x128x128xf32, #tpu.memory_space<vmem>> -> memref<128x128xf32, #tpu.memory_space<vmem>>
              %get3A_705 = arith.index_cast %add3A_700 : i32 to index
              %get3A_706 = arith.index_cast %add3A_515 : i32 to index
              %get3A_707 = tpu.vector_load %get3A_704[%get3A_705, %get3A_706] {strides = array<i32>} : memref<128x128xf32, #tpu.memory_space<vmem>>, vector<1x16xf32>,
              %get3A_708 = vector.shape_cast %get3A_707 : vector<1x16xf32> to vector<16xf32>
              %add3A_709 = arith.addf %get3A_708, %get3A_523 : vector<16xf32>
              %swap3A_710 = arith.constant 0 : i32
              %swap3A_711 = arith.constant 0 : i32
              %swap3A_712 = tpu.memref_slice %run_scoped3A_20[%rem3A_402, %swap3A_710, %swap3A_711] : memref<2x128x128xf32, #tpu.memory_space<vmem>> -> memref<1x128x128xf32, #tpu.memory_space<vmem>>
              %swap3A_713 = tpu.memref_squeeze %swap3A_712 : memref<1x128x128xf32, #tpu.memory_space<vmem>> -> memref<128x128xf32, #tpu.memory_space<vmem>>
              %swap3A_714 = arith.index_cast %add3A_700 : i32 to index
              %swap3A_715 = arith.index_cast %add3A_515 : i32 to index
              %swap3A_716 = tpu.vector_load %swap3A_713[%swap3A_714, %swap3A_715] {strides = array<i32>} : memref<128x128xf32, #tpu.memory_space<vmem>>, vector<1x16xf32>,
              %swap3A_717 = vector.shape_cast %swap3A_716 : vector<1x16xf32> to vector<16xf32>
              %swap3A_718 = vector.shape_cast %add3A_709 : vector<16xf32> to vector<1x16xf32>
              tpu.vector_store %swap3A_713[%swap3A_714, %swap3A_715], %swap3A_718 {strides = array<i32>} : memref<128x128xf32, #tpu.memory_space<vmem>>, vector<1x16xf32>,
              %scan3A_719 = arith.constant 8 : i32
              %scan3A_720 = arith.addi %scan3A_529, %scan3A_719 : i32
              %mul3A_721 = arith.constant 1 : i32
              %mul3A_722 = arith.muli %scan3A_720, %mul3A_721 : i32
              %add3A_723 = arith.constant 0 : i32
              %add3A_724 = arith.addi %add3A_723, %mul3A_722 : i32
              %get3A_725 = arith.constant 0 : i32
              %get3A_726 = arith.constant 0 : i32
              %get3A_727 = tpu.memref_slice %run_scoped3A[%rem3A_398, %get3A_725, %get3A_726] : memref<2x128x128xf32, #tpu.memory_space<vmem>> -> memref<1x128x128xf32, #tpu.memory_space<vmem>>
              %get3A_728 = tpu.memref_squeeze %get3A_727 : memref<1x128x128xf32, #tpu.memory_space<vmem>> -> memref<128x128xf32, #tpu.memory_space<vmem>>
              %get3A_729 = arith.index_cast %add3A_724 : i32 to index
              %get3A_730 = arith.index_cast %add3A_515 : i32 to index
              %get3A_731 = tpu.vector_load %get3A_728[%get3A_729, %get3A_730] {strides = array<i32>} : memref<128x128xf32, #tpu.memory_space<vmem>>, vector<1x16xf32>,
              %get3A_732 = vector.shape_cast %get3A_731 : vector<1x16xf32> to vector<16xf32>
              %add3A_733 = arith.addf %get3A_732, %get3A_523 : vector<16xf32>
              %swap3A_734 = arith.constant 0 : i32
              %swap3A_735 = arith.constant 0 : i32
              %swap3A_736 = tpu.memref_slice %run_scoped3A_20[%rem3A_402, %swap3A_734, %swap3A_735] : memref<2x128x128xf32, #tpu.memory_space<vmem>> -> memref<1x128x128xf32, #tpu.memory_space<vmem>>
              %swap3A_737 = tpu.memref_squeeze %swap3A_736 : memref<1x128x128xf32, #tpu.memory_space<vmem>> -> memref<128x128xf32, #tpu.memory_space<vmem>>
              %swap3A_738 = arith.index_cast %add3A_724 : i32 to index
              %swap3A_739 = arith.index_cast %add3A_515 : i32 to index
              %swap3A_740 = tpu.vector_load %swap3A_737[%swap3A_738, %swap3A_739] {strides = array<i32>} : memref<128x128xf32, #tpu.memory_space<vmem>>, vector<1x16xf32>,
              %swap3A_741 = vector.shape_cast %swap3A_740 : vector<1x16xf32> to vector<16xf32>
              %swap3A_742 = vector.shape_cast %add3A_733 : vector<16xf32> to vector<1x16xf32>
              tpu.vector_store %swap3A_737[%swap3A_738, %swap3A_739], %swap3A_742 {strides = array<i32>} : memref<128x128xf32, #tpu.memory_space<vmem>>, vector<1x16xf32>,
              %scan3A_743 = arith.constant 9 : i32
              %scan3A_744 = arith.addi %scan3A_529, %scan3A_743 : i32
              %mul3A_745 = arith.constant 1 : i32
              %mul3A_746 = arith.muli %scan3A_744, %mul3A_745 : i32
              %add3A_747 = arith.constant 0 : i32
              %add3A_748 = arith.addi %add3A_747, %mul3A_746 : i32
              %get3A_749 = arith.constant 0 : i32
              %get3A_750 = arith.constant 0 : i32
              %get3A_751 = tpu.memref_slice %run_scoped3A[%rem3A_398, %get3A_749, %get3A_750] : memref<2x128x128xf32, #tpu.memory_space<vmem>> -> memref<1x128x128xf32, #tpu.memory_space<vmem>>
              %get3A_752 = tpu.memref_squeeze %get3A_751 : memref<1x128x128xf32, #tpu.memory_space<vmem>> -> memref<128x128xf32, #tpu.memory_space<vmem>>
              %get3A_753 = arith.index_cast %add3A_748 : i32 to index
              %get3A_754 = arith.index_cast %add3A_515 : i32 to index
              %get3A_755 = tpu.vector_load %get3A_752[%get3A_753, %get3A_754] {strides = array<i32>} : memref<128x128xf32, #tpu.memory_space<vmem>>, vector<1x16xf32>,
              %get3A_756 = vector.shape_cast %get3A_755 : vector<1x16xf32> to vector<16xf32>
              %add3A_757 = arith.addf %get3A_756, %get3A_523 : vector<16xf32>
              %swap3A_758 = arith.constant 0 : i32
              %swap3A_759 = arith.constant 0 : i32
              %swap3A_760 = tpu.memref_slice %run_scoped3A_20[%rem3A_402, %swap3A_758, %swap3A_759] : memref<2x128x128xf32, #tpu.memory_space<vmem>> -> memref<1x128x128xf32, #tpu.memory_space<vmem>>
              %swap3A_761 = tpu.memref_squeeze %swap3A_760 : memref<1x128x128xf32, #tpu.memory_space<vmem>> -> memref<128x128xf32, #tpu.memory_space<vmem>>
              %swap3A_762 = arith.index_cast %add3A_748 : i32 to index
              %swap3A_763 = arith.index_cast %add3A_515 : i32 to index
              %swap3A_764 = tpu.vector_load %swap3A_761[%swap3A_762, %swap3A_763] {strides = array<i32>} : memref<128x128xf32, #tpu.memory_space<vmem>>, vector<1x16xf32>,
              %swap3A_765 = vector.shape_cast %swap3A_764 : vector<1x16xf32> to vector<16xf32>
              %swap3A_766 = vector.shape_cast %add3A_757 : vector<16xf32> to vector<1x16xf32>
              tpu.vector_store %swap3A_761[%swap3A_762, %swap3A_763], %swap3A_766 {strides = array<i32>} : memref<128x128xf32, #tpu.memory_space<vmem>>, vector<1x16xf32>,
              %scan3A_767 = arith.constant 10 : i32
              %scan3A_768 = arith.addi %scan3A_529, %scan3A_767 : i32
              %mul3A_769 = arith.constant 1 : i32
              %mul3A_770 = arith.muli %scan3A_768, %mul3A_769 : i32
              %add3A_771 = arith.constant 0 : i32
              %add3A_772 = arith.addi %add3A_771, %mul3A_770 : i32
              %get3A_773 = arith.constant 0 : i32
              %get3A_774 = arith.constant 0 : i32
              %get3A_775 = tpu.memref_slice %run_scoped3A[%rem3A_398, %get3A_773, %get3A_774] : memref<2x128x128xf32, #tpu.memory_space<vmem>> -> memref<1x128x128xf32, #tpu.memory_space<vmem>>
              %get3A_776 = tpu.memref_squeeze %get3A_775 : memref<1x128x128xf32, #tpu.memory_space<vmem>> -> memref<128x128xf32, #tpu.memory_space<vmem>>
              %get3A_777 = arith.index_cast %add3A_772 : i32 to index
              %get3A_778 = arith.index_cast %add3A_515 : i32 to index
              %get3A_779 = tpu.vector_load %get3A_776[%get3A_777, %get3A_778] {strides = array<i32>} : memref<128x128xf32, #tpu.memory_space<vmem>>, vector<1x16xf32>,
              %get3A_780 = vector.shape_cast %get3A_779 : vector<1x16xf32> to vector<16xf32>
              %add3A_781 = arith.addf %get3A_780, %get3A_523 : vector<16xf32>
              %swap3A_782 = arith.constant 0 : i32
              %swap3A_783 = arith.constant 0 : i32
              %swap3A_784 = tpu.memref_slice %run_scoped3A_20[%rem3A_402, %swap3A_782, %swap3A_783] : memref<2x128x128xf32, #tpu.memory_space<vmem>> -> memref<1x128x128xf32, #tpu.memory_space<vmem>>
              %swap3A_785 = tpu.memref_squeeze %swap3A_784 : memref<1x128x128xf32, #tpu.memory_space<vmem>> -> memref<128x128xf32, #tpu.memory_space<vmem>>
              %swap3A_786 = arith.index_cast %add3A_772 : i32 to index
              %swap3A_787 = arith.index_cast %add3A_515 : i32 to index
              %swap3A_788 = tpu.vector_load %swap3A_785[%swap3A_786, %swap3A_787] {strides = array<i32>} : memref<128x128xf32, #tpu.memory_space<vmem>>, vector<1x16xf32>,
              %swap3A_789 = vector.shape_cast %swap3A_788 : vector<1x16xf32> to vector<16xf32>
              %swap3A_790 = vector.shape_cast %add3A_781 : vector<16xf32> to vector<1x16xf32>
              tpu.vector_store %swap3A_785[%swap3A_786, %swap3A_787], %swap3A_790 {strides = array<i32>} : memref<128x128xf32, #tpu.memory_space<vmem>>, vector<1x16xf32>,
              %scan3A_791 = arith.constant 11 : i32
              %scan3A_792 = arith.addi %scan3A_529, %scan3A_791 : i32
              %mul3A_793 = arith.constant 1 : i32
              %mul3A_794 = arith.muli %scan3A_792, %mul3A_793 : i32
              %add3A_795 = arith.constant 0 : i32
              %add3A_796 = arith.addi %add3A_795, %mul3A_794 : i32
              %get3A_797 = arith.constant 0 : i32
              %get3A_798 = arith.constant 0 : i32
              %get3A_799 = tpu.memref_slice %run_scoped3A[%rem3A_398, %get3A_797, %get3A_798] : memref<2x128x128xf32, #tpu.memory_space<vmem>> -> memref<1x128x128xf32, #tpu.memory_space<vmem>>
              %get3A_800 = tpu.memref_squeeze %get3A_799 : memref<1x128x128xf32, #tpu.memory_space<vmem>> -> memref<128x128xf32, #tpu.memory_space<vmem>>
              %get3A_801 = arith.index_cast %add3A_796 : i32 to index
              %get3A_802 = arith.index_cast %add3A_515 : i32 to index
              %get3A_803 = tpu.vector_load %get3A_800[%get3A_801, %get3A_802] {strides = array<i32>} : memref<128x128xf32, #tpu.memory_space<vmem>>, vector<1x16xf32>,
              %get3A_804 = vector.shape_cast %get3A_803 : vector<1x16xf32> to vector<16xf32>
              %add3A_805 = arith.addf %get3A_804, %get3A_523 : vector<16xf32>
              %swap3A_806 = arith.constant 0 : i32
              %swap3A_807 = arith.constant 0 : i32
              %swap3A_808 = tpu.memref_slice %run_scoped3A_20[%rem3A_402, %swap3A_806, %swap3A_807] : memref<2x128x128xf32, #tpu.memory_space<vmem>> -> memref<1x128x128xf32, #tpu.memory_space<vmem>>
              %swap3A_809 = tpu.memref_squeeze %swap3A_808 : memref<1x128x128xf32, #tpu.memory_space<vmem>> -> memref<128x128xf32, #tpu.memory_space<vmem>>
              %swap3A_810 = arith.index_cast %add3A_796 : i32 to index
              %swap3A_811 = arith.index_cast %add3A_515 : i32 to index
              %swap3A_812 = tpu.vector_load %swap3A_809[%swap3A_810, %swap3A_811] {strides = array<i32>} : memref<128x128xf32, #tpu.memory_space<vmem>>, vector<1x16xf32>,
              %swap3A_813 = vector.shape_cast %swap3A_812 : vector<1x16xf32> to vector<16xf32>
              %swap3A_814 = vector.shape_cast %add3A_805 : vector<16xf32> to vector<1x16xf32>
              tpu.vector_store %swap3A_809[%swap3A_810, %swap3A_811], %swap3A_814 {strides = array<i32>} : memref<128x128xf32, #tpu.memory_space<vmem>>, vector<1x16xf32>,
              %scan3A_815 = arith.constant 12 : i32
              %scan3A_816 = arith.addi %scan3A_529, %scan3A_815 : i32
              %mul3A_817 = arith.constant 1 : i32
              %mul3A_818 = arith.muli %scan3A_816, %mul3A_817 : i32
              %add3A_819 = arith.constant 0 : i32
              %add3A_820 = arith.addi %add3A_819, %mul3A_818 : i32
              %get3A_821 = arith.constant 0 : i32
              %get3A_822 = arith.constant 0 : i32
              %get3A_823 = tpu.memref_slice %run_scoped3A[%rem3A_398, %get3A_821, %get3A_822] : memref<2x128x128xf32, #tpu.memory_space<vmem>> -> memref<1x128x128xf32, #tpu.memory_space<vmem>>
              %get3A_824 = tpu.memref_squeeze %get3A_823 : memref<1x128x128xf32, #tpu.memory_space<vmem>> -> memref<128x128xf32, #tpu.memory_space<vmem>>
              %get3A_825 = arith.index_cast %add3A_820 : i32 to index
              %get3A_826 = arith.index_cast %add3A_515 : i32 to index
              %get3A_827 = tpu.vector_load %get3A_824[%get3A_825, %get3A_826] {strides = array<i32>} : memref<128x128xf32, #tpu.memory_space<vmem>>, vector<1x16xf32>,
              %get3A_828 = vector.shape_cast %get3A_827 : vector<1x16xf32> to vector<16xf32>
              %add3A_829 = arith.addf %get3A_828, %get3A_523 : vector<16xf32>
              %swap3A_830 = arith.constant 0 : i32
              %swap3A_831 = arith.constant 0 : i32
              %swap3A_832 = tpu.memref_slice %run_scoped3A_20[%rem3A_402, %swap3A_830, %swap3A_831] : memref<2x128x128xf32, #tpu.memory_space<vmem>> -> memref<1x128x128xf32, #tpu.memory_space<vmem>>
              %swap3A_833 = tpu.memref_squeeze %swap3A_832 : memref<1x128x128xf32, #tpu.memory_space<vmem>> -> memref<128x128xf32, #tpu.memory_space<vmem>>
              %swap3A_834 = arith.index_cast %add3A_820 : i32 to index
              %swap3A_835 = arith.index_cast %add3A_515 : i32 to index
              %swap3A_836 = tpu.vector_load %swap3A_833[%swap3A_834, %swap3A_835] {strides = array<i32>} : memref<128x128xf32, #tpu.memory_space<vmem>>, vector<1x16xf32>,
              %swap3A_837 = vector.shape_cast %swap3A_836 : vector<1x16xf32> to vector<16xf32>
              %swap3A_838 = vector.shape_cast %add3A_829 : vector<16xf32> to vector<1x16xf32>
              tpu.vector_store %swap3A_833[%swap3A_834, %swap3A_835], %swap3A_838 {strides = array<i32>} : memref<128x128xf32, #tpu.memory_space<vmem>>, vector<1x16xf32>,
              %scan3A_839 = arith.constant 13 : i32
              %scan3A_840 = arith.addi %scan3A_529, %scan3A_839 : i32
              %mul3A_841 = arith.constant 1 : i32
              %mul3A_842 = arith.muli %scan3A_840, %mul3A_841 : i32
              %add3A_843 = arith.constant 0 : i32
              %add3A_844 = arith.addi %add3A_843, %mul3A_842 : i32
              %get3A_845 = arith.constant 0 : i32
              %get3A_846 = arith.constant 0 : i32
              %get3A_847 = tpu.memref_slice %run_scoped3A[%rem3A_398, %get3A_845, %get3A_846] : memref<2x128x128xf32, #tpu.memory_space<vmem>> -> memref<1x128x128xf32, #tpu.memory_space<vmem>>
              %get3A_848 = tpu.memref_squeeze %get3A_847 : memref<1x128x128xf32, #tpu.memory_space<vmem>> -> memref<128x128xf32, #tpu.memory_space<vmem>>
              %get3A_849 = arith.index_cast %add3A_844 : i32 to index
              %get3A_850 = arith.index_cast %add3A_515 : i32 to index
              %get3A_851 = tpu.vector_load %get3A_848[%get3A_849, %get3A_850] {strides = array<i32>} : memref<128x128xf32, #tpu.memory_space<vmem>>, vector<1x16xf32>,
              %get3A_852 = vector.shape_cast %get3A_851 : vector<1x16xf32> to vector<16xf32>
              %add3A_853 = arith.addf %get3A_852, %get3A_523 : vector<16xf32>
              %swap3A_854 = arith.constant 0 : i32
              %swap3A_855 = arith.constant 0 : i32
              %swap3A_856 = tpu.memref_slice %run_scoped3A_20[%rem3A_402, %swap3A_854, %swap3A_855] : memref<2x128x128xf32, #tpu.memory_space<vmem>> -> memref<1x128x128xf32, #tpu.memory_space<vmem>>
              %swap3A_857 = tpu.memref_squeeze %swap3A_856 : memref<1x128x128xf32, #tpu.memory_space<vmem>> -> memref<128x128xf32, #tpu.memory_space<vmem>>
              %swap3A_858 = arith.index_cast %add3A_844 : i32 to index
              %swap3A_859 = arith.index_cast %add3A_515 : i32 to index
              %swap3A_860 = tpu.vector_load %swap3A_857[%swap3A_858, %swap3A_859] {strides = array<i32>} : memref<128x128xf32, #tpu.memory_space<vmem>>, vector<1x16xf32>,
              %swap3A_861 = vector.shape_cast %swap3A_860 : vector<1x16xf32> to vector<16xf32>
              %swap3A_862 = vector.shape_cast %add3A_853 : vector<16xf32> to vector<1x16xf32>
              tpu.vector_store %swap3A_857[%swap3A_858, %swap3A_859], %swap3A_862 {strides = array<i32>} : memref<128x128xf32, #tpu.memory_space<vmem>>, vector<1x16xf32>,
              %scan3A_863 = arith.constant 14 : i32
              %scan3A_864 = arith.addi %scan3A_529, %scan3A_863 : i32
              %mul3A_865 = arith.constant 1 : i32
              %mul3A_866 = arith.muli %scan3A_864, %mul3A_865 : i32
              %add3A_867 = arith.constant 0 : i32
              %add3A_868 = arith.addi %add3A_867, %mul3A_866 : i32
              %get3A_869 = arith.constant 0 : i32
              %get3A_870 = arith.constant 0 : i32
              %get3A_871 = tpu.memref_slice %run_scoped3A[%rem3A_398, %get3A_869, %get3A_870] : memref<2x128x128xf32, #tpu.memory_space<vmem>> -> memref<1x128x128xf32, #tpu.memory_space<vmem>>
              %get3A_872 = tpu.memref_squeeze %get3A_871 : memref<1x128x128xf32, #tpu.memory_space<vmem>> -> memref<128x128xf32, #tpu.memory_space<vmem>>
              %get3A_873 = arith.index_cast %add3A_868 : i32 to index
              %get3A_874 = arith.index_cast %add3A_515 : i32 to index
              %get3A_875 = tpu.vector_load %get3A_872[%get3A_873, %get3A_874] {strides = array<i32>} : memref<128x128xf32, #tpu.memory_space<vmem>>, vector<1x16xf32>,
              %get3A_876 = vector.shape_cast %get3A_875 : vector<1x16xf32> to vector<16xf32>
              %add3A_877 = arith.addf %get3A_876, %get3A_523 : vector<16xf32>
              %swap3A_878 = arith.constant 0 : i32
              %swap3A_879 = arith.constant 0 : i32
              %swap3A_880 = tpu.memref_slice %run_scoped3A_20[%rem3A_402, %swap3A_878, %swap3A_879] : memref<2x128x128xf32, #tpu.memory_space<vmem>> -> memref<1x128x128xf32, #tpu.memory_space<vmem>>
              %swap3A_881 = tpu.memref_squeeze %swap3A_880 : memref<1x128x128xf32, #tpu.memory_space<vmem>> -> memref<128x128xf32, #tpu.memory_space<vmem>>
              %swap3A_882 = arith.index_cast %add3A_868 : i32 to index
              %swap3A_883 = arith.index_cast %add3A_515 : i32 to index
              %swap3A_884 = tpu.vector_load %swap3A_881[%swap3A_882, %swap3A_883] {strides = array<i32>} : memref<128x128xf32, #tpu.memory_space<vmem>>, vector<1x16xf32>,
              %swap3A_885 = vector.shape_cast %swap3A_884 : vector<1x16xf32> to vector<16xf32>
              %swap3A_886 = vector.shape_cast %add3A_877 : vector<16xf32> to vector<1x16xf32>
              tpu.vector_store %swap3A_881[%swap3A_882, %swap3A_883], %swap3A_886 {strides = array<i32>} : memref<128x128xf32, #tpu.memory_space<vmem>>, vector<1x16xf32>,
              %scan3A_887 = arith.constant 15 : i32
              %scan3A_888 = arith.addi %scan3A_529, %scan3A_887 : i32
              %mul3A_889 = arith.constant 1 : i32
              %mul3A_890 = arith.muli %scan3A_888, %mul3A_889 : i32
              %add3A_891 = arith.constant 0 : i32
              %add3A_892 = arith.addi %add3A_891, %mul3A_890 : i32
              %get3A_893 = arith.constant 0 : i32
              %get3A_894 = arith.constant 0 : i32
              %get3A_895 = tpu.memref_slice %run_scoped3A[%rem3A_398, %get3A_893, %get3A_894] : memref<2x128x128xf32, #tpu.memory_space<vmem>> -> memref<1x128x128xf32, #tpu.memory_space<vmem>>
              %get3A_896 = tpu.memref_squeeze %get3A_895 : memref<1x128x128xf32, #tpu.memory_space<vmem>> -> memref<128x128xf32, #tpu.memory_space<vmem>>
              %get3A_897 = arith.index_cast %add3A_892 : i32 to index
              %get3A_898 = arith.index_cast %add3A_515 : i32 to index
              %get3A_899 = tpu.vector_load %get3A_896[%get3A_897, %get3A_898] {strides = array<i32>} : memref<128x128xf32, #tpu.memory_space<vmem>>, vector<1x16xf32>,
              %get3A_900 = vector.shape_cast %get3A_899 : vector<1x16xf32> to vector<16xf32>
              %add3A_901 = arith.addf %get3A_900, %get3A_523 : vector<16xf32>
              %swap3A_902 = arith.constant 0 : i32
              %swap3A_903 = arith.constant 0 : i32
              %swap3A_904 = tpu.memref_slice %run_scoped3A_20[%rem3A_402, %swap3A_902, %swap3A_903] : memref<2x128x128xf32, #tpu.memory_space<vmem>> -> memref<1x128x128xf32, #tpu.memory_space<vmem>>
              %swap3A_905 = tpu.memref_squeeze %swap3A_904 : memref<1x128x128xf32, #tpu.memory_space<vmem>> -> memref<128x128xf32, #tpu.memory_space<vmem>>
              %swap3A_906 = arith.index_cast %add3A_892 : i32 to index
              %swap3A_907 = arith.index_cast %add3A_515 : i32 to index
              %swap3A_908 = tpu.vector_load %swap3A_905[%swap3A_906, %swap3A_907] {strides = array<i32>} : memref<128x128xf32, #tpu.memory_space<vmem>>, vector<1x16xf32>,
              %swap3A_909 = vector.shape_cast %swap3A_908 : vector<1x16xf32> to vector<16xf32>
              %swap3A_910 = vector.shape_cast %add3A_901 : vector<16xf32> to vector<1x16xf32>
              tpu.vector_store %swap3A_905[%swap3A_906, %swap3A_907], %swap3A_910 {strides = array<i32>} : memref<128x128xf32, #tpu.memory_space<vmem>>, vector<1x16xf32>,
            }
            %scan3A_528 = arith.constant 128 : i32
          }
          %scan3A_406 = arith.constant 8 : i32
          "tpu.trace_stop"() : () -> ()
          %ne3A_407 = arith.cmpi ne, %add3A_269, %add3A_305 : i32
          %ne3A_408 = arith.cmpi ne, %add3A_270, %add3A_306 : i32
          %or3A_409 = arith.constant false
          %or3A_410 = arith.ori %or3A_409, %ne3A_407 : i1
          %or3A_411 = arith.ori %or3A_410, %ne3A_408 : i1
          %or3A_412 = arith.ori %or3A_411, %eq3A_267 : i1
          %convert_element_type3A_413 = arith.extui %or3A_412 : i1 to i32
          %cond3A_414 = arith.constant 0 : i32
          %cond3A_415 = arith.cmpi ne, %convert_element_type3A_413, %cond3A_414 : i32
          scf.if %cond3A_415 {
          } else {
          }
          %and3A_416 = arith.constant false
          %and3A_417 = arith.andi %or3A_412, %and3A_416 : i1
          %ne3A_418 = arith.cmpi ne, %add3A_270, %add3A_306 : i32
          %or3A_419 = arith.constant false
          %or3A_420 = arith.ori %or3A_419, %ne3A_418 : i1
          %or3A_421 = arith.ori %or3A_420, %eq3A_267 : i1
          %convert_element_type3A_422 = arith.extui %or3A_421 : i1 to i32
          %cond3A_423 = arith.constant 0 : i32
          %cond3A_424 = arith.cmpi ne, %convert_element_type3A_422, %cond3A_423 : i32
          scf.if %cond3A_424 {
          } else {
          }
          %and3A_425 = arith.constant false
          %and3A_426 = arith.andi %or3A_421, %and3A_425 : i1
          %ne3A_427 = arith.cmpi ne, %add3A_269, %add3A_305 : i32
          %ne3A_428 = arith.cmpi ne, %add3A_270, %add3A_306 : i32
          %or3A_429 = arith.constant false
          %or3A_430 = arith.ori %or3A_429, %ne3A_427 : i1
          %or3A_431 = arith.ori %or3A_430, %ne3A_428 : i1
          %or3A_432 = arith.ori %or3A_431, %eq3A_267 : i1
          %convert_element_type3A_433 = arith.extui %or3A_432 : i1 to i32
          %cond3A_434 = arith.constant 0 : i32
          %cond3A_435 = arith.cmpi ne, %convert_element_type3A_433, %cond3A_434 : i32
          scf.if %cond3A_435 {
            "tpu.trace_start"() <{level = 10 : i32, message = "ep_copy_out"}> : () -> ()
            %rem3A_511 = arith.constant 2 : i32
            %rem3A_512 = arith.remui %while3A_257, %rem3A_511 : i32
            %mul3A_513 = arith.constant 128 : i32
            %mul3A_514 = arith.muli %mul3A_513, %add3A_269 : i32
            %mul3A_515 = arith.constant 128 : i32
            %mul3A_516 = arith.muli %mul3A_515, %add3A_270 : i32
            %eq3A_517 = arith.constant 781 : i32
            %eq3A_518 = arith.cmpi eq, %add3A_270, %eq3A_517 : i32
            %jit3A_519 = arith.constant 128 : i32
            %jit3A_520 = arith.constant 128 : i32
            %select_n3A_521 = arith.select %eq3A_518, %jit3A_519, %jit3A_520 : i32
            %multiple_of3A_522 = tpu.assume_multiple %select_n3A_521, 128 : i32
            %mul3A_523 = arith.constant 128 : i32
            %mul3A_524 = arith.muli %add3A_270, %mul3A_523 : i32
            %dma_start3A_525 = arith.constant 0 : i32
            %dma_start3A_526 = arith.constant 0 : i32
            %dma_start3A_527 = tpu.memref_slice %run_scoped3A_20[%rem3A_512, %dma_start3A_525, %dma_start3A_526] <%multiple_of3A_522> : memref<2x128x128xf32, #tpu.memory_space<vmem>> -> memref<1x128x?xf32, #tpu.memory_space<vmem>>
            %dma_start3A_528 = tpu.memref_squeeze %dma_start3A_527 : memref<1x128x?xf32, #tpu.memory_space<vmem>> -> memref<128x?xf32, #tpu.memory_space<vmem>>
            %dma_start3A_529 = tpu.memref_slice %arg4[%mul3A_514, %mul3A_524] <%multiple_of3A_522> : memref<1024x100000xf32, #tpu.memory_space<hbm>> -> memref<128x?xf32, #tpu.memory_space<hbm>>
            %dma_start3A_530 = tpu.memref_slice %run_scoped3A_21[%rem3A_512] : memref<2x!tpu.dma_semaphore, #tpu.memory_space<semaphore_mem>> -> memref<1x!tpu.dma_semaphore, #tpu.memory_space<semaphore_mem>>
            %dma_start3A_531 = tpu.memref_squeeze %dma_start3A_530 : memref<1x!tpu.dma_semaphore, #tpu.memory_space<semaphore_mem>> -> memref<!tpu.dma_semaphore, #tpu.memory_space<semaphore_mem>>
            %dma_start3A_532 = tpu.memref_slice %arg4[%mul3A_514, %mul3A_524] <%multiple_of3A_522> : memref<1024x100000xf32, #tpu.memory_space<hbm>> -> memref<128x?xf32, #tpu.memory_space<hbm>>
            %dma_start3A_533 = arith.constant 0 : i32
            %dma_start3A_534 = arith.constant 0 : i32
            %dma_start3A_535 = tpu.memref_slice %run_scoped3A_20[%rem3A_512, %dma_start3A_533, %dma_start3A_534] <%multiple_of3A_522> : memref<2x128x128xf32, #tpu.memory_space<vmem>> -> memref<1x128x?xf32, #tpu.memory_space<vmem>>
            %dma_start3A_536 = tpu.memref_squeeze %dma_start3A_535 : memref<1x128x?xf32, #tpu.memory_space<vmem>> -> memref<128x?xf32, #tpu.memory_space<vmem>>
            tpu.enqueue_dma source(%dma_start3A_536 : memref<128x?xf32, #tpu.memory_space<vmem>>) target(%dma_start3A_532 : memref<128x?xf32, #tpu.memory_space<hbm>>) target_semaphore(%dma_start3A_531 : memref<!tpu.dma_semaphore, #tpu.memory_space<semaphore_mem>>)
            "tpu.trace_stop"() : () -> ()
          } else {
          }
          %and3A_436 = arith.constant true
          %and3A_437 = arith.andi %or3A_432, %and3A_436 : i1
          %add3A_438 = arith.constant 1 : i32
          %add3A_439 = arith.addi %while3A_257, %add3A_438 : i32
          %select_n3A_440 = arith.select %and3A_437, %add3A_439, %while3A_257 : i32
          %ne3A_441 = arith.cmpi ne, %add3A_269, %add3A_288 : i32
          %ne3A_442 = arith.cmpi ne, %add3A_270, %add3A_289 : i32
          %or3A_443 = arith.constant false
          %or3A_444 = arith.ori %or3A_443, %ne3A_441 : i1
          %or3A_445 = arith.ori %or3A_444, %ne3A_442 : i1
          %not3A_446 = arith.constant true
          %not3A_447 = arith.xori %eq3A_264, %not3A_446 : i1
          %and3A_448 = arith.andi %or3A_445, %not3A_447 : i1
          %convert_element_type3A_449 = arith.extui %and3A_448 : i1 to i32
          %cond3A_450 = arith.constant 0 : i32
          %cond3A_451 = arith.cmpi ne, %convert_element_type3A_449, %cond3A_450 : i32
          scf.if %cond3A_451 {
          } else {
          }
          %and3A_452 = arith.constant false
          %and3A_453 = arith.andi %and3A_448, %and3A_452 : i1
          %ne3A_454 = arith.cmpi ne, %add3A_270, %add3A_289 : i32
          %or3A_455 = arith.constant false
          %or3A_456 = arith.ori %or3A_455, %ne3A_454 : i1
          %not3A_457 = arith.constant true
          %not3A_458 = arith.xori %eq3A_264, %not3A_457 : i1
          %and3A_459 = arith.andi %or3A_456, %not3A_458 : i1
          %convert_element_type3A_460 = arith.extui %and3A_459 : i1 to i32
          %cond3A_461 = arith.constant 0 : i32
          %cond3A_462 = arith.cmpi ne, %convert_element_type3A_460, %cond3A_461 : i32
          scf.if %cond3A_462 {
          } else {
          }
          %and3A_463 = arith.constant false
          %and3A_464 = arith.andi %and3A_459, %and3A_463 : i1
          %ne3A_465 = arith.cmpi ne, %add3A_269, %add3A_288 : i32
          %ne3A_466 = arith.cmpi ne, %add3A_270, %add3A_289 : i32
          %or3A_467 = arith.constant false
          %or3A_468 = arith.ori %or3A_467, %ne3A_465 : i1
          %or3A_469 = arith.ori %or3A_468, %ne3A_466 : i1
          %not3A_470 = arith.constant true
          %not3A_471 = arith.xori %eq3A_264, %not3A_470 : i1
          %and3A_472 = arith.andi %or3A_469, %not3A_471 : i1
          %convert_element_type3A_473 = arith.extui %and3A_472 : i1 to i32
          %cond3A_474 = arith.constant 0 : i32
          %cond3A_475 = arith.cmpi ne, %convert_element_type3A_473, %cond3A_474 : i32
          scf.if %cond3A_475 {
            "tpu.trace_start"() <{level = 10 : i32, message = "ep_wait_out"}> : () -> ()
            %rem3A_511 = arith.constant 2 : i32
            %rem3A_512 = arith.remui %while3A_258, %rem3A_511 : i32
            %mul3A_513 = arith.constant 128 : i32
            %mul3A_514 = arith.muli %mul3A_513, %add3A_288 : i32
            %mul3A_515 = arith.constant 128 : i32
            %mul3A_516 = arith.muli %mul3A_515, %add3A_289 : i32
            %eq3A_517 = arith.constant 781 : i32
            %eq3A_518 = arith.cmpi eq, %add3A_289, %eq3A_517 : i32
            %jit3A_519 = arith.constant 128 : i32
            %jit3A_520 = arith.constant 128 : i32
            %select_n3A_521 = arith.select %eq3A_518, %jit3A_519, %jit3A_520 : i32
            %multiple_of3A_522 = tpu.assume_multiple %select_n3A_521, 128 : i32
            %mul3A_523 = arith.constant 128 : i32
            %mul3A_524 = arith.muli %add3A_289, %mul3A_523 : i32
            %dma_wait3A = arith.constant 0 : i32
            %dma_wait3A_525 = arith.constant 0 : i32
            %dma_wait3A_526 = tpu.memref_slice %run_scoped3A_20[%rem3A_512, %dma_wait3A, %dma_wait3A_525] <%multiple_of3A_522> : memref<2x128x128xf32, #tpu.memory_space<vmem>> -> memref<1x128x?xf32, #tpu.memory_space<vmem>>
            %dma_wait3A_527 = tpu.memref_squeeze %dma_wait3A_526 : memref<1x128x?xf32, #tpu.memory_space<vmem>> -> memref<128x?xf32, #tpu.memory_space<vmem>>
            %dma_wait3A_528 = tpu.memref_slice %arg4[%mul3A_514, %mul3A_524] <%multiple_of3A_522> : memref<1024x100000xf32, #tpu.memory_space<hbm>> -> memref<128x?xf32, #tpu.memory_space<hbm>>
            %dma_wait3A_529 = tpu.memref_slice %run_scoped3A_21[%rem3A_512] : memref<2x!tpu.dma_semaphore, #tpu.memory_space<semaphore_mem>> -> memref<1x!tpu.dma_semaphore, #tpu.memory_space<semaphore_mem>>
            %dma_wait3A_530 = tpu.memref_squeeze %dma_wait3A_529 : memref<1x!tpu.dma_semaphore, #tpu.memory_space<semaphore_mem>> -> memref<!tpu.dma_semaphore, #tpu.memory_space<semaphore_mem>>
            %dma_wait3A_531 = tpu.memref_slice %arg4[%mul3A_514, %mul3A_524] <%multiple_of3A_522> : memref<1024x100000xf32, #tpu.memory_space<hbm>> -> memref<128x?xf32, #tpu.memory_space<hbm>>
            %dma_wait3A_532 = arith.constant 0 : i32
            %dma_wait3A_533 = arith.constant 0 : i32
            %dma_wait3A_534 = tpu.memref_slice %run_scoped3A_20[%rem3A_512, %dma_wait3A_532, %dma_wait3A_533] <%multiple_of3A_522> : memref<2x128x128xf32, #tpu.memory_space<vmem>> -> memref<1x128x?xf32, #tpu.memory_space<vmem>>
            %dma_wait3A_535 = tpu.memref_squeeze %dma_wait3A_534 : memref<1x128x?xf32, #tpu.memory_space<vmem>> -> memref<128x?xf32, #tpu.memory_space<vmem>>
            tpu.wait_dma2 semaphore(%dma_wait3A_530 : memref<!tpu.dma_semaphore, #tpu.memory_space<semaphore_mem>>) src(%dma_wait3A_535 : memref<128x?xf32, #tpu.memory_space<vmem>>) dst(%dma_wait3A_531 : memref<128x?xf32, #tpu.memory_space<hbm>>)
            "tpu.trace_stop"() : () -> ()
          } else {
          }
          %and3A_476 = arith.constant true
          %and3A_477 = arith.andi %and3A_472, %and3A_476 : i1
          %add3A_478 = arith.constant 1 : i32
          %add3A_479 = arith.addi %while3A_258, %add3A_478 : i32
          %select_n3A_480 = arith.select %and3A_477, %add3A_479, %while3A_258 : i32
          %ne3A_481 = arith.cmpi ne, %add3A_269, %add3A_305 : i32
          %ne3A_482 = arith.cmpi ne, %add3A_270, %add3A_306 : i32
          %or3A_483 = arith.constant false
          %or3A_484 = arith.ori %or3A_483, %ne3A_481 : i1
          %or3A_485 = arith.ori %or3A_484, %ne3A_482 : i1
          %or3A_486 = arith.ori %or3A_485, %eq3A_267 : i1
          %add3A_487 = arith.constant 1 : i32
          %add3A_488 = arith.addi %while3A_254, %add3A_487 : i32
          %select_n3A_489 = arith.select %or3A_486, %add3A_488, %while3A_254 : i32
          %ne3A_490 = arith.cmpi ne, %add3A_270, %add3A_306 : i32
          %or3A_491 = arith.constant false
          %or3A_492 = arith.ori %or3A_491, %ne3A_490 : i1
          %or3A_493 = arith.ori %or3A_492, %eq3A_267 : i1
          %add3A_494 = arith.constant 1 : i32
          %add3A_495 = arith.addi %while3A_256, %add3A_494 : i32
          %select_n3A_496 = arith.select %or3A_493, %add3A_495, %while3A_256 : i32
          %add3A_497 = arith.constant 1 : i32
          %add3A_498 = arith.addi %while3A_260, %add3A_497 : i32
          %select_n3A_499 = arith.constant true
          %select_n3A_500 = arith.select %select_n3A_499, %add3A_498, %while3A_260 : i32
          %eq3A_501 = arith.cmpi eq, %select_n3A_500, %select_n3A : i32
          %select_n3A_502 = arith.constant 0 : i32
          %select_n3A_503 = arith.select %eq3A_501, %select_n3A_502, %select_n3A_500 : i32
          %add3A_504 = arith.constant 1 : i32
          %add3A_505 = arith.addi %while3A_259, %add3A_504 : i32
          %select_n3A_506 = arith.select %eq3A_501, %add3A_505, %while3A_259 : i32
          %eq3A_507 = arith.constant 8 : i32
          %eq3A_508 = arith.cmpi eq, %select_n3A_506, %eq3A_507 : i32
          %select_n3A_509 = arith.constant 0 : i32
          %select_n3A_510 = arith.select %eq3A_508, %select_n3A_509, %select_n3A_506 : i32
          scf.yield %select_n3A_339, %select_n3A_489, %select_n3A_358, %select_n3A_496, %select_n3A_440, %select_n3A_480, %select_n3A_510, %select_n3A_503 : i32, i32, i32, i32, i32, i32, i32, i32
        }
        %while3A_160 = arith.constant 1 : i32
        %while3A_161:8 = scf.for %while3A_252 = %while3A_157 to %while3A_153 step %while3A_160 iter_args(%while3A_253 = %while3A_159#0, %while3A_254 = %while3A_159#1, %while3A_255 = %while3A_159#2, %while3A_256 = %while3A_159#3, %while3A_257 = %while3A_159#4, %while3A_258 = %while3A_159#5, %while3A_259 = %while3A_159#6, %while3A_260 = %while3A_159#7) -> (i32, i32, i32, i32, i32, i32, i32, i32)  : i32 {
          %mul3A_261 = arith.constant 8 : i32
          %mul3A_262 = arith.muli %mul3A_261, %select_n3A : i32
          %eq3A_263 = arith.constant 0 : i32
          %eq3A_264 = arith.cmpi eq, %while3A_252, %eq3A_263 : i32
          %sub3A_265 = arith.constant 1 : i32
          %sub3A_266 = arith.subi %mul3A_262, %sub3A_265 : i32
          %eq3A_267 = arith.cmpi eq, %while3A_252, %sub3A_266 : i32
          %add3A_268 = arith.constant 0 : i32
          %add3A_269 = arith.addi %while3A_259, %add3A_268 : i32
          %add3A_270 = arith.addi %while3A_260, %select_n3A_14 : i32
          %sub3A_271 = arith.constant 1 : i32
          %sub3A_272 = arith.subi %while3A_260, %sub3A_271 : i32
          %select_n3A_273 = arith.constant true
          %select_n3A_274 = arith.select %select_n3A_273, %sub3A_272, %while3A_260 : i32
          %eq3A_275 = arith.constant -1 : i32
          %eq3A_276 = arith.cmpi eq, %select_n3A_274, %eq3A_275 : i32
          %sub3A_277 = arith.constant 1 : i32
          %sub3A_278 = arith.subi %select_n3A, %sub3A_277 : i32
          %select_n3A_279 = arith.select %eq3A_276, %sub3A_278, %select_n3A_274 : i32
          %sub3A_280 = arith.constant 1 : i32
          %sub3A_281 = arith.subi %while3A_259, %sub3A_280 : i32
          %select_n3A_282 = arith.select %eq3A_276, %sub3A_281, %while3A_259 : i32
          %eq3A_283 = arith.constant -1 : i32
          %eq3A_284 = arith.cmpi eq, %select_n3A_282, %eq3A_283 : i32
          %select_n3A_285 = arith.constant 7 : i32
          %select_n3A_286 = arith.select %eq3A_284, %select_n3A_285, %select_n3A_282 : i32
          %add3A_287 = arith.constant 0 : i32
          %add3A_288 = arith.addi %select_n3A_286, %add3A_287 : i32
          %add3A_289 = arith.addi %select_n3A_279, %select_n3A_14 : i32
          %add3A_290 = arith.constant 1 : i32
          %add3A_291 = arith.addi %while3A_260, %add3A_290 : i32
          %select_n3A_292 = arith.constant true
          %select_n3A_293 = arith.select %select_n3A_292, %add3A_291, %while3A_260 : i32
          %eq3A_294 = arith.cmpi eq, %select_n3A_293, %select_n3A : i32
          %select_n3A_295 = arith.constant 0 : i32
          %select_n3A_296 = arith.select %eq3A_294, %select_n3A_295, %select_n3A_293 : i32
          %add3A_297 = arith.constant 1 : i32
          %add3A_298 = arith.addi %while3A_259, %add3A_297 : i32
          %select_n3A_299 = arith.select %eq3A_294, %add3A_298, %while3A_259 : i32
          %eq3A_300 = arith.constant 8 : i32
          %eq3A_301 = arith.cmpi eq, %select_n3A_299, %eq3A_300 : i32
          %select_n3A_302 = arith.constant 0 : i32
          %select_n3A_303 = arith.select %eq3A_301, %select_n3A_302, %select_n3A_299 : i32
          %add3A_304 = arith.constant 0 : i32
          %add3A_305 = arith.addi %select_n3A_303, %add3A_304 : i32
          %add3A_306 = arith.addi %select_n3A_296, %select_n3A_14 : i32
          %add3A_307 = arith.constant 1 : i32
          %add3A_308 = arith.addi %select_n3A_296, %add3A_307 : i32
          %select_n3A_309 = arith.constant true
          %select_n3A_310 = arith.select %select_n3A_309, %add3A_308, %select_n3A_296 : i32
          %eq3A_311 = arith.cmpi eq, %select_n3A_310, %select_n3A : i32
          %select_n3A_312 = arith.constant 0 : i32
          %select_n3A_313 = arith.select %eq3A_311, %select_n3A_312, %select_n3A_310 : i32
          %add3A_314 = arith.constant 1 : i32
          %add3A_315 = arith.addi %select_n3A_303, %add3A_314 : i32
          %select_n3A_316 = arith.select %eq3A_311, %add3A_315, %select_n3A_303 : i32
          %eq3A_317 = arith.constant 8 : i32
          %eq3A_318 = arith.cmpi eq, %select_n3A_316, %eq3A_317 : i32
          %select_n3A_319 = arith.constant 0 : i32
          %select_n3A_320 = arith.select %eq3A_318, %select_n3A_319, %select_n3A_316 : i32
          %add3A_321 = arith.constant 0 : i32
          %add3A_322 = arith.addi %select_n3A_320, %add3A_321 : i32
          %add3A_323 = arith.addi %select_n3A_313, %select_n3A_14 : i32
          %ne3A = arith.cmpi ne, %add3A_269, %add3A_305 : i32
          %ne3A_324 = arith.cmpi ne, %add3A_270, %add3A_306 : i32
          %or3A = arith.constant false
          %or3A_325 = arith.ori %or3A, %ne3A : i1
          %or3A_326 = arith.ori %or3A_325, %ne3A_324 : i1
          %sub3A_327 = arith.constant 2 : i32
          %sub3A_328 = arith.subi %mul3A_262, %sub3A_327 : i32
          %add3A_329 = arith.constant 1 : i32
          %add3A_330 = arith.addi %sub3A_328, %add3A_329 : i32
          %ge3A = arith.cmpi sge, %while3A_252, %add3A_330 : i32
          %not3A = arith.constant true
          %not3A_331 = arith.xori %ge3A, %not3A : i1
          %and3A = arith.andi %or3A_326, %not3A_331 : i1
          %convert_element_type3A_332 = arith.extui %and3A : i1 to i32
          %cond3A_333 = arith.constant 0 : i32
          %cond3A_334 = arith.cmpi ne, %convert_element_type3A_332, %cond3A_333 : i32
          scf.if %cond3A_334 {
            "tpu.trace_start"() <{level = 10 : i32, message = "ep_copy_in"}> : () -> ()
            %rem3A_511 = arith.constant 2 : i32
            %rem3A_512 = arith.remui %while3A_253, %rem3A_511 : i32
            %mul3A_513 = arith.constant 128 : i32
            %mul3A_514 = arith.muli %mul3A_513, %add3A_305 : i32
            %mul3A_515 = arith.constant 128 : i32
            %mul3A_516 = arith.muli %mul3A_515, %add3A_306 : i32
            %eq3A_517 = arith.constant 781 : i32
            %eq3A_518 = arith.cmpi eq, %add3A_306, %eq3A_517 : i32
            %jit3A_519 = arith.constant 128 : i32
            %jit3A_520 = arith.constant 128 : i32
            %select_n3A_521 = arith.select %eq3A_518, %jit3A_519, %jit3A_520 : i32
            %multiple_of3A_522 = tpu.assume_multiple %select_n3A_521, 128 : i32
            %mul3A_523 = arith.constant 128 : i32
            %mul3A_524 = arith.muli %add3A_306, %mul3A_523 : i32
            %dma_start3A_525 = arith.constant 0 : i32
            %dma_start3A_526 = arith.constant 0 : i32
            %dma_start3A_527 = tpu.memref_slice %run_scoped3A[%rem3A_512, %dma_start3A_525, %dma_start3A_526] <%multiple_of3A_522> : memref<2x128x128xf32, #tpu.memory_space<vmem>> -> memref<1x128x?xf32, #tpu.memory_space<vmem>>
            %dma_start3A_528 = tpu.memref_squeeze %dma_start3A_527 : memref<1x128x?xf32, #tpu.memory_space<vmem>> -> memref<128x?xf32, #tpu.memory_space<vmem>>
            %dma_start3A_529 = tpu.memref_slice %arg2[%mul3A_514, %mul3A_524] <%multiple_of3A_522> : memref<1024x100000xf32, #tpu.memory_space<hbm>> -> memref<128x?xf32, #tpu.memory_space<hbm>>
            %dma_start3A_530 = tpu.memref_slice %run_scoped3A_17[%rem3A_512] : memref<2x!tpu.dma_semaphore, #tpu.memory_space<semaphore_mem>> -> memref<1x!tpu.dma_semaphore, #tpu.memory_space<semaphore_mem>>
            %dma_start3A_531 = tpu.memref_squeeze %dma_start3A_530 : memref<1x!tpu.dma_semaphore, #tpu.memory_space<semaphore_mem>> -> memref<!tpu.dma_semaphore, #tpu.memory_space<semaphore_mem>>
            %dma_start3A_532 = arith.constant 0 : i32
            %dma_start3A_533 = arith.constant 0 : i32
            %dma_start3A_534 = tpu.memref_slice %run_scoped3A[%rem3A_512, %dma_start3A_532, %dma_start3A_533] <%multiple_of3A_522> : memref<2x128x128xf32, #tpu.memory_space<vmem>> -> memref<1x128x?xf32, #tpu.memory_space<vmem>>
            %dma_start3A_535 = tpu.memref_squeeze %dma_start3A_534 : memref<1x128x?xf32, #tpu.memory_space<vmem>> -> memref<128x?xf32, #tpu.memory_space<vmem>>
            %dma_start3A_536 = tpu.memref_slice %arg2[%mul3A_514, %mul3A_524] <%multiple_of3A_522> : memref<1024x100000xf32, #tpu.memory_space<hbm>> -> memref<128x?xf32, #tpu.memory_space<hbm>>
            tpu.enqueue_dma source(%dma_start3A_536 : memref<128x?xf32, #tpu.memory_space<hbm>>) target(%dma_start3A_535 : memref<128x?xf32, #tpu.memory_space<vmem>>) target_semaphore(%dma_start3A_531 : memref<!tpu.dma_semaphore, #tpu.memory_space<semaphore_mem>>)
            "tpu.trace_stop"() : () -> ()
          } else {
          }
          %and3A_335 = arith.constant true
          %and3A_336 = arith.andi %and3A, %and3A_335 : i1
          %add3A_337 = arith.constant 1 : i32
          %add3A_338 = arith.addi %while3A_253, %add3A_337 : i32
          %select_n3A_339 = arith.select %and3A_336, %add3A_338, %while3A_253 : i32
          %ne3A_340 = arith.cmpi ne, %add3A_270, %add3A_306 : i32
          %or3A_341 = arith.constant false
          %or3A_342 = arith.ori %or3A_341, %ne3A_340 : i1
          %sub3A_343 = arith.constant 2 : i32
          %sub3A_344 = arith.subi %mul3A_262, %sub3A_343 : i32
          %add3A_345 = arith.constant 1 : i32
          %add3A_346 = arith.addi %sub3A_344, %add3A_345 : i32
          %ge3A_347 = arith.cmpi sge, %while3A_252, %add3A_346 : i32
          %not3A_348 = arith.constant true
          %not3A_349 = arith.xori %ge3A_347, %not3A_348 : i1
          %and3A_350 = arith.andi %or3A_342, %not3A_349 : i1
          %convert_element_type3A_351 = arith.extui %and3A_350 : i1 to i32
          %cond3A_352 = arith.constant 0 : i32
          %cond3A_353 = arith.cmpi ne, %convert_element_type3A_351, %cond3A_352 : i32
          scf.if %cond3A_353 {
            "tpu.trace_start"() <{level = 10 : i32, message = "ep_copy_in"}> : () -> ()
            %rem3A_511 = arith.constant 2 : i32
            %rem3A_512 = arith.remui %while3A_255, %rem3A_511 : i32
            %mul3A_513 = arith.constant 128 : i32
            %mul3A_514 = arith.muli %mul3A_513, %add3A_306 : i32
            %eq3A_515 = arith.constant 781 : i32
            %eq3A_516 = arith.cmpi eq, %add3A_306, %eq3A_515 : i32
            %jit3A_517 = arith.constant 128 : i32
            %jit3A_518 = arith.constant 128 : i32
            %select_n3A_519 = arith.select %eq3A_516, %jit3A_517, %jit3A_518 : i32
            %multiple_of3A_520 = tpu.assume_multiple %select_n3A_519, 128 : i32
            %mul3A_521 = arith.constant 128 : i32
            %mul3A_522 = arith.muli %add3A_306, %mul3A_521 : i32
            %dma_start3A_523 = arith.constant 0 : i32
            %dma_start3A_524 = arith.constant 0 : i32
            %dma_start3A_525 = tpu.memref_slice %run_scoped3A_18[%rem3A_512, %dma_start3A_523, %dma_start3A_524] <%multiple_of3A_520> : memref<2x1x128xf32, #tpu.memory_space<vmem>> -> memref<1x1x?xf32, #tpu.memory_space<vmem>>
            %dma_start3A_526 = tpu.memref_squeeze %dma_start3A_525 : memref<1x1x?xf32, #tpu.memory_space<vmem>> -> memref<1x?xf32, #tpu.memory_space<vmem>>
            %dma_start3A_527 = arith.constant 0 : i32
            %dma_start3A_528 = tpu.memref_slice %arg3[%dma_start3A_527, %mul3A_522] <%multiple_of3A_520> : memref<1x100000xf32, #tpu.memory_space<hbm>> -> memref<1x?xf32, #tpu.memory_space<hbm>>
            %dma_start3A_529 = tpu.memref_slice %run_scoped3A_19[%rem3A_512] : memref<2x!tpu.dma_semaphore, #tpu.memory_space<semaphore_mem>> -> memref<1x!tpu.dma_semaphore, #tpu.memory_space<semaphore_mem>>
            %dma_start3A_530 = tpu.memref_squeeze %dma_start3A_529 : memref<1x!tpu.dma_semaphore, #tpu.memory_space<semaphore_mem>> -> memref<!tpu.dma_semaphore, #tpu.memory_space<semaphore_mem>>
            %dma_start3A_531 = arith.constant 0 : i32
            %dma_start3A_532 = arith.constant 0 : i32
            %dma_start3A_533 = tpu.memref_slice %run_scoped3A_18[%rem3A_512, %dma_start3A_531, %dma_start3A_532] <%multiple_of3A_520> : memref<2x1x128xf32, #tpu.memory_space<vmem>> -> memref<1x1x?xf32, #tpu.memory_space<vmem>>
            %dma_start3A_534 = tpu.memref_squeeze %dma_start3A_533 : memref<1x1x?xf32, #tpu.memory_space<vmem>> -> memref<1x?xf32, #tpu.memory_space<vmem>>
            %dma_start3A_535 = arith.constant 0 : i32
            %dma_start3A_536 = tpu.memref_slice %arg3[%dma_start3A_535, %mul3A_522] <%multiple_of3A_520> : memref<1x100000xf32, #tpu.memory_space<hbm>> -> memref<1x?xf32, #tpu.memory_space<hbm>>
            tpu.enqueue_dma source(%dma_start3A_536 : memref<1x?xf32, #tpu.memory_space<hbm>>) target(%dma_start3A_534 : memref<1x?xf32, #tpu.memory_space<vmem>>) target_semaphore(%dma_start3A_530 : memref<!tpu.dma_semaphore, #tpu.memory_space<semaphore_mem>>)
            "tpu.trace_stop"() : () -> ()
          } else {
          }
          %and3A_354 = arith.constant true
          %and3A_355 = arith.andi %and3A_350, %and3A_354 : i1
          %add3A_356 = arith.constant 1 : i32
          %add3A_357 = arith.addi %while3A_255, %add3A_356 : i32
          %select_n3A_358 = arith.select %and3A_355, %add3A_357, %while3A_255 : i32
          %ne3A_359 = arith.cmpi ne, %add3A_269, %add3A_305 : i32
          %ne3A_360 = arith.cmpi ne, %add3A_270, %add3A_306 : i32
          %or3A_361 = arith.constant false
          %or3A_362 = arith.ori %or3A_361, %ne3A_359 : i1
          %or3A_363 = arith.ori %or3A_362, %ne3A_360 : i1
          %sub3A_364 = arith.constant 2 : i32
          %sub3A_365 = arith.subi %mul3A_262, %sub3A_364 : i32
          %add3A_366 = arith.constant 1 : i32
          %add3A_367 = arith.addi %sub3A_365, %add3A_366 : i32
          %ge3A_368 = arith.cmpi sge, %while3A_252, %add3A_367 : i32
          %not3A_369 = arith.constant true
          %not3A_370 = arith.xori %ge3A_368, %not3A_369 : i1
          %and3A_371 = arith.andi %or3A_363, %not3A_370 : i1
          %ne3A_372 = arith.cmpi ne, %add3A_269, %add3A_288 : i32
          %ne3A_373 = arith.cmpi ne, %add3A_270, %add3A_289 : i32
          %or3A_374 = arith.constant false
          %or3A_375 = arith.ori %or3A_374, %ne3A_372 : i1
          %or3A_376 = arith.ori %or3A_375, %ne3A_373 : i1
          %or3A_377 = arith.ori %or3A_376, %eq3A_264 : i1
          %convert_element_type3A_378 = arith.extui %or3A_377 : i1 to i32
          %cond3A_379 = arith.constant 0 : i32
          %cond3A_380 = arith.cmpi ne, %convert_element_type3A_378, %cond3A_379 : i32
          scf.if %cond3A_380 {
            "tpu.trace_start"() <{level = 10 : i32, message = "ep_wait_in"}> : () -> ()
            %mul3A_511 = arith.constant 128 : i32
            %mul3A_512 = arith.muli %mul3A_511, %add3A_269 : i32
            %mul3A_513 = arith.constant 128 : i32
            %mul3A_514 = arith.muli %mul3A_513, %add3A_270 : i32
            %eq3A_515 = arith.constant 781 : i32
            %eq3A_516 = arith.cmpi eq, %add3A_270, %eq3A_515 : i32
            %jit3A_517 = arith.constant 128 : i32
            %jit3A_518 = arith.constant 128 : i32
            %select_n3A_519 = arith.select %eq3A_516, %jit3A_517, %jit3A_518 : i32
            %multiple_of3A_520 = tpu.assume_multiple %select_n3A_519, 128 : i32
            %mul3A_521 = arith.constant 128 : i32
            %mul3A_522 = arith.muli %add3A_270, %mul3A_521 : i32
            %rem3A_523 = arith.constant 2 : i32
            %rem3A_524 = arith.remui %while3A_254, %rem3A_523 : i32
            %dma_wait3A = arith.constant 0 : i32
            %dma_wait3A_525 = arith.constant 0 : i32
            %dma_wait3A_526 = tpu.memref_slice %run_scoped3A[%rem3A_524, %dma_wait3A, %dma_wait3A_525] <%multiple_of3A_520> : memref<2x128x128xf32, #tpu.memory_space<vmem>> -> memref<1x128x?xf32, #tpu.memory_space<vmem>>
            %dma_wait3A_527 = tpu.memref_squeeze %dma_wait3A_526 : memref<1x128x?xf32, #tpu.memory_space<vmem>> -> memref<128x?xf32, #tpu.memory_space<vmem>>
            %dma_wait3A_528 = tpu.memref_slice %arg2[%mul3A_512, %mul3A_522] <%multiple_of3A_520> : memref<1024x100000xf32, #tpu.memory_space<hbm>> -> memref<128x?xf32, #tpu.memory_space<hbm>>
            %dma_wait3A_529 = tpu.memref_slice %run_scoped3A_17[%rem3A_524] : memref<2x!tpu.dma_semaphore, #tpu.memory_space<semaphore_mem>> -> memref<1x!tpu.dma_semaphore, #tpu.memory_space<semaphore_mem>>
            %dma_wait3A_530 = tpu.memref_squeeze %dma_wait3A_529 : memref<1x!tpu.dma_semaphore, #tpu.memory_space<semaphore_mem>> -> memref<!tpu.dma_semaphore, #tpu.memory_space<semaphore_mem>>
            %dma_wait3A_531 = arith.constant 0 : i32
            %dma_wait3A_532 = arith.constant 0 : i32
            %dma_wait3A_533 = tpu.memref_slice %run_scoped3A[%rem3A_524, %dma_wait3A_531, %dma_wait3A_532] <%multiple_of3A_520> : memref<2x128x128xf32, #tpu.memory_space<vmem>> -> memref<1x128x?xf32, #tpu.memory_space<vmem>>
            %dma_wait3A_534 = tpu.memref_squeeze %dma_wait3A_533 : memref<1x128x?xf32, #tpu.memory_space<vmem>> -> memref<128x?xf32, #tpu.memory_space<vmem>>
            %dma_wait3A_535 = tpu.memref_slice %arg2[%mul3A_512, %mul3A_522] <%multiple_of3A_520> : memref<1024x100000xf32, #tpu.memory_space<hbm>> -> memref<128x?xf32, #tpu.memory_space<hbm>>
            tpu.wait_dma2 semaphore(%dma_wait3A_530 : memref<!tpu.dma_semaphore, #tpu.memory_space<semaphore_mem>>) src(%dma_wait3A_535 : memref<128x?xf32, #tpu.memory_space<hbm>>) dst(%dma_wait3A_534 : memref<128x?xf32, #tpu.memory_space<vmem>>)
            "tpu.trace_stop"() : () -> ()
          } else {
          }
          %ne3A_381 = arith.cmpi ne, %add3A_270, %add3A_289 : i32
          %or3A_382 = arith.constant false
          %or3A_383 = arith.ori %or3A_382, %ne3A_381 : i1
          %or3A_384 = arith.ori %or3A_383, %eq3A_264 : i1
          %convert_element_type3A_385 = arith.extui %or3A_384 : i1 to i32
          %cond3A_386 = arith.constant 0 : i32
          %cond3A_387 = arith.cmpi ne, %convert_element_type3A_385, %cond3A_386 : i32
          scf.if %cond3A_387 {
            "tpu.trace_start"() <{level = 10 : i32, message = "ep_wait_in"}> : () -> ()
            %mul3A_511 = arith.constant 128 : i32
            %mul3A_512 = arith.muli %mul3A_511, %add3A_270 : i32
            %eq3A_513 = arith.constant 781 : i32
            %eq3A_514 = arith.cmpi eq, %add3A_270, %eq3A_513 : i32
            %jit3A_515 = arith.constant 128 : i32
            %jit3A_516 = arith.constant 128 : i32
            %select_n3A_517 = arith.select %eq3A_514, %jit3A_515, %jit3A_516 : i32
            %multiple_of3A_518 = tpu.assume_multiple %select_n3A_517, 128 : i32
            %mul3A_519 = arith.constant 128 : i32
            %mul3A_520 = arith.muli %add3A_270, %mul3A_519 : i32
            %rem3A_521 = arith.constant 2 : i32
            %rem3A_522 = arith.remui %while3A_256, %rem3A_521 : i32
            %dma_wait3A = arith.constant 0 : i32
            %dma_wait3A_523 = arith.constant 0 : i32
            %dma_wait3A_524 = tpu.memref_slice %run_scoped3A_18[%rem3A_522, %dma_wait3A, %dma_wait3A_523] <%multiple_of3A_518> : memref<2x1x128xf32, #tpu.memory_space<vmem>> -> memref<1x1x?xf32, #tpu.memory_space<vmem>>
            %dma_wait3A_525 = tpu.memref_squeeze %dma_wait3A_524 : memref<1x1x?xf32, #tpu.memory_space<vmem>> -> memref<1x?xf32, #tpu.memory_space<vmem>>
            %dma_wait3A_526 = arith.constant 0 : i32
            %dma_wait3A_527 = tpu.memref_slice %arg3[%dma_wait3A_526, %mul3A_520] <%multiple_of3A_518> : memref<1x100000xf32, #tpu.memory_space<hbm>> -> memref<1x?xf32, #tpu.memory_space<hbm>>
            %dma_wait3A_528 = tpu.memref_slice %run_scoped3A_19[%rem3A_522] : memref<2x!tpu.dma_semaphore, #tpu.memory_space<semaphore_mem>> -> memref<1x!tpu.dma_semaphore, #tpu.memory_space<semaphore_mem>>
            %dma_wait3A_529 = tpu.memref_squeeze %dma_wait3A_528 : memref<1x!tpu.dma_semaphore, #tpu.memory_space<semaphore_mem>> -> memref<!tpu.dma_semaphore, #tpu.memory_space<semaphore_mem>>
            %dma_wait3A_530 = arith.constant 0 : i32
            %dma_wait3A_531 = arith.constant 0 : i32
            %dma_wait3A_532 = tpu.memref_slice %run_scoped3A_18[%rem3A_522, %dma_wait3A_530, %dma_wait3A_531] <%multiple_of3A_518> : memref<2x1x128xf32, #tpu.memory_space<vmem>> -> memref<1x1x?xf32, #tpu.memory_space<vmem>>
            %dma_wait3A_533 = tpu.memref_squeeze %dma_wait3A_532 : memref<1x1x?xf32, #tpu.memory_space<vmem>> -> memref<1x?xf32, #tpu.memory_space<vmem>>
            %dma_wait3A_534 = arith.constant 0 : i32
            %dma_wait3A_535 = tpu.memref_slice %arg3[%dma_wait3A_534, %mul3A_520] <%multiple_of3A_518> : memref<1x100000xf32, #tpu.memory_space<hbm>> -> memref<1x?xf32, #tpu.memory_space<hbm>>
            tpu.wait_dma2 semaphore(%dma_wait3A_529 : memref<!tpu.dma_semaphore, #tpu.memory_space<semaphore_mem>>) src(%dma_wait3A_535 : memref<1x?xf32, #tpu.memory_space<hbm>>) dst(%dma_wait3A_533 : memref<1x?xf32, #tpu.memory_space<vmem>>)
            "tpu.trace_stop"() : () -> ()
          } else {
          }
          %ne3A_388 = arith.cmpi ne, %add3A_269, %add3A_288 : i32
          %ne3A_389 = arith.cmpi ne, %add3A_270, %add3A_289 : i32
          %or3A_390 = arith.constant false
          %or3A_391 = arith.ori %or3A_390, %ne3A_388 : i1
          %or3A_392 = arith.ori %or3A_391, %ne3A_389 : i1
          %or3A_393 = arith.ori %or3A_392, %eq3A_264 : i1
          %convert_element_type3A_394 = arith.extui %or3A_393 : i1 to i32
          %cond3A_395 = arith.constant 0 : i32
          %cond3A_396 = arith.cmpi ne, %convert_element_type3A_394, %cond3A_395 : i32
          scf.if %cond3A_396 {
          } else {
          }
          %rem3A_397 = arith.constant 2 : i32
          %rem3A_398 = arith.remui %while3A_254, %rem3A_397 : i32
          %rem3A_399 = arith.constant 2 : i32
          %rem3A_400 = arith.remui %while3A_256, %rem3A_399 : i32
          %rem3A_401 = arith.constant 2 : i32
          %rem3A_402 = arith.remui %while3A_257, %rem3A_401 : i32
          "tpu.trace_start"() <{level = 10 : i32, message = "ep_run_kernel"}> : () -> ()
          %scan3A = arith.constant 0 : i32
          %scan3A_403 = arith.constant 8 : i32
          %scan3A_404 = arith.addi %scan3A, %scan3A_403 : i32
          %scan3A_405 = arith.constant 1 : i32
          scf.for %scan3A_511 = %scan3A to %scan3A_404 step %scan3A_405  : i32 {
            %mul3A_512 = arith.constant 16 : i32
            %mul3A_513 = arith.muli %scan3A_511, %mul3A_512 : i32
            %add3A_514 = arith.constant 0 : i32
            %add3A_515 = arith.addi %add3A_514, %mul3A_513 : i32
            %get3A = arith.constant 0 : i32
            %get3A_516 = arith.constant 0 : i32
            %get3A_517 = arith.constant 0 : i32
            %get3A_518 = tpu.memref_slice %run_scoped3A_18[%rem3A_400, %get3A_516, %get3A_517] : memref<2x1x128xf32, #tpu.memory_space<vmem>> -> memref<1x1x128xf32, #tpu.memory_space<vmem>>
            %get3A_519 = tpu.memref_squeeze %get3A_518 : memref<1x1x128xf32, #tpu.memory_space<vmem>> -> memref<1x128xf32, #tpu.memory_space<vmem>>
            %get3A_520 = arith.index_cast %get3A : i32 to index
            %get3A_521 = arith.index_cast %add3A_515 : i32 to index
            %get3A_522 = tpu.vector_load %get3A_519[%get3A_520, %get3A_521] {strides = array<i32>} : memref<1x128xf32, #tpu.memory_space<vmem>>, vector<1x16xf32>,
            %get3A_523 = vector.shape_cast %get3A_522 : vector<1x16xf32> to vector<16xf32>
            %scan3A_524 = arith.constant 0 : i32
            %scan3A_525 = arith.constant 128 : i32
            %scan3A_526 = arith.addi %scan3A_524, %scan3A_525 : i32
            %scan3A_527 = arith.constant 16 : i32
            scf.for %scan3A_529 = %scan3A_524 to %scan3A_526 step %scan3A_527  : i32 {
              %mul3A_530 = arith.constant 1 : i32
              %mul3A_531 = arith.muli %scan3A_529, %mul3A_530 : i32
              %add3A_532 = arith.constant 0 : i32
              %add3A_533 = arith.addi %add3A_532, %mul3A_531 : i32
              %get3A_534 = arith.constant 0 : i32
              %get3A_535 = arith.constant 0 : i32
              %get3A_536 = tpu.memref_slice %run_scoped3A[%rem3A_398, %get3A_534, %get3A_535] : memref<2x128x128xf32, #tpu.memory_space<vmem>> -> memref<1x128x128xf32, #tpu.memory_space<vmem>>
              %get3A_537 = tpu.memref_squeeze %get3A_536 : memref<1x128x128xf32, #tpu.memory_space<vmem>> -> memref<128x128xf32, #tpu.memory_space<vmem>>
              %get3A_538 = arith.index_cast %add3A_533 : i32 to index
              %get3A_539 = arith.index_cast %add3A_515 : i32 to index
              %get3A_540 = tpu.vector_load %get3A_537[%get3A_538, %get3A_539] {strides = array<i32>} : memref<128x128xf32, #tpu.memory_space<vmem>>, vector<1x16xf32>,
              %get3A_541 = vector.shape_cast %get3A_540 : vector<1x16xf32> to vector<16xf32>
              %add3A_542 = arith.addf %get3A_541, %get3A_523 : vector<16xf32>
              %swap3A = arith.constant 0 : i32
              %swap3A_543 = arith.constant 0 : i32
              %swap3A_544 = tpu.memref_slice %run_scoped3A_20[%rem3A_402, %swap3A, %swap3A_543] : memref<2x128x128xf32, #tpu.memory_space<vmem>> -> memref<1x128x128xf32, #tpu.memory_space<vmem>>
              %swap3A_545 = tpu.memref_squeeze %swap3A_544 : memref<1x128x128xf32, #tpu.memory_space<vmem>> -> memref<128x128xf32, #tpu.memory_space<vmem>>
              %swap3A_546 = arith.index_cast %add3A_533 : i32 to index
              %swap3A_547 = arith.index_cast %add3A_515 : i32 to index
              %swap3A_548 = tpu.vector_load %swap3A_545[%swap3A_546, %swap3A_547] {strides = array<i32>} : memref<128x128xf32, #tpu.memory_space<vmem>>, vector<1x16xf32>,
              %swap3A_549 = vector.shape_cast %swap3A_548 : vector<1x16xf32> to vector<16xf32>
              %swap3A_550 = vector.shape_cast %add3A_542 : vector<16xf32> to vector<1x16xf32>
              tpu.vector_store %swap3A_545[%swap3A_546, %swap3A_547], %swap3A_550 {strides = array<i32>} : memref<128x128xf32, #tpu.memory_space<vmem>>, vector<1x16xf32>,
              %scan3A_551 = arith.constant 1 : i32
              %scan3A_552 = arith.addi %scan3A_529, %scan3A_551 : i32
              %mul3A_553 = arith.constant 1 : i32
              %mul3A_554 = arith.muli %scan3A_552, %mul3A_553 : i32
              %add3A_555 = arith.constant 0 : i32
              %add3A_556 = arith.addi %add3A_555, %mul3A_554 : i32
              %get3A_557 = arith.constant 0 : i32
              %get3A_558 = arith.constant 0 : i32
              %get3A_559 = tpu.memref_slice %run_scoped3A[%rem3A_398, %get3A_557, %get3A_558] : memref<2x128x128xf32, #tpu.memory_space<vmem>> -> memref<1x128x128xf32, #tpu.memory_space<vmem>>
              %get3A_560 = tpu.memref_squeeze %get3A_559 : memref<1x128x128xf32, #tpu.memory_space<vmem>> -> memref<128x128xf32, #tpu.memory_space<vmem>>
              %get3A_561 = arith.index_cast %add3A_556 : i32 to index
              %get3A_562 = arith.index_cast %add3A_515 : i32 to index
              %get3A_563 = tpu.vector_load %get3A_560[%get3A_561, %get3A_562] {strides = array<i32>} : memref<128x128xf32, #tpu.memory_space<vmem>>, vector<1x16xf32>,
              %get3A_564 = vector.shape_cast %get3A_563 : vector<1x16xf32> to vector<16xf32>
              %add3A_565 = arith.addf %get3A_564, %get3A_523 : vector<16xf32>
              %swap3A_566 = arith.constant 0 : i32
              %swap3A_567 = arith.constant 0 : i32
              %swap3A_568 = tpu.memref_slice %run_scoped3A_20[%rem3A_402, %swap3A_566, %swap3A_567] : memref<2x128x128xf32, #tpu.memory_space<vmem>> -> memref<1x128x128xf32, #tpu.memory_space<vmem>>
              %swap3A_569 = tpu.memref_squeeze %swap3A_568 : memref<1x128x128xf32, #tpu.memory_space<vmem>> -> memref<128x128xf32, #tpu.memory_space<vmem>>
              %swap3A_570 = arith.index_cast %add3A_556 : i32 to index
              %swap3A_571 = arith.index_cast %add3A_515 : i32 to index
              %swap3A_572 = tpu.vector_load %swap3A_569[%swap3A_570, %swap3A_571] {strides = array<i32>} : memref<128x128xf32, #tpu.memory_space<vmem>>, vector<1x16xf32>,
              %swap3A_573 = vector.shape_cast %swap3A_572 : vector<1x16xf32> to vector<16xf32>
              %swap3A_574 = vector.shape_cast %add3A_565 : vector<16xf32> to vector<1x16xf32>
              tpu.vector_store %swap3A_569[%swap3A_570, %swap3A_571], %swap3A_574 {strides = array<i32>} : memref<128x128xf32, #tpu.memory_space<vmem>>, vector<1x16xf32>,
              %scan3A_575 = arith.constant 2 : i32
              %scan3A_576 = arith.addi %scan3A_529, %scan3A_575 : i32
              %mul3A_577 = arith.constant 1 : i32
              %mul3A_578 = arith.muli %scan3A_576, %mul3A_577 : i32
              %add3A_579 = arith.constant 0 : i32
              %add3A_580 = arith.addi %add3A_579, %mul3A_578 : i32
              %get3A_581 = arith.constant 0 : i32
              %get3A_582 = arith.constant 0 : i32
              %get3A_583 = tpu.memref_slice %run_scoped3A[%rem3A_398, %get3A_581, %get3A_582] : memref<2x128x128xf32, #tpu.memory_space<vmem>> -> memref<1x128x128xf32, #tpu.memory_space<vmem>>
              %get3A_584 = tpu.memref_squeeze %get3A_583 : memref<1x128x128xf32, #tpu.memory_space<vmem>> -> memref<128x128xf32, #tpu.memory_space<vmem>>
              %get3A_585 = arith.index_cast %add3A_580 : i32 to index
              %get3A_586 = arith.index_cast %add3A_515 : i32 to index
              %get3A_587 = tpu.vector_load %get3A_584[%get3A_585, %get3A_586] {strides = array<i32>} : memref<128x128xf32, #tpu.memory_space<vmem>>, vector<1x16xf32>,
              %get3A_588 = vector.shape_cast %get3A_587 : vector<1x16xf32> to vector<16xf32>
              %add3A_589 = arith.addf %get3A_588, %get3A_523 : vector<16xf32>
              %swap3A_590 = arith.constant 0 : i32
              %swap3A_591 = arith.constant 0 : i32
              %swap3A_592 = tpu.memref_slice %run_scoped3A_20[%rem3A_402, %swap3A_590, %swap3A_591] : memref<2x128x128xf32, #tpu.memory_space<vmem>> -> memref<1x128x128xf32, #tpu.memory_space<vmem>>
              %swap3A_593 = tpu.memref_squeeze %swap3A_592 : memref<1x128x128xf32, #tpu.memory_space<vmem>> -> memref<128x128xf32, #tpu.memory_space<vmem>>
              %swap3A_594 = arith.index_cast %add3A_580 : i32 to index
              %swap3A_595 = arith.index_cast %add3A_515 : i32 to index
              %swap3A_596 = tpu.vector_load %swap3A_593[%swap3A_594, %swap3A_595] {strides = array<i32>} : memref<128x128xf32, #tpu.memory_space<vmem>>, vector<1x16xf32>,
              %swap3A_597 = vector.shape_cast %swap3A_596 : vector<1x16xf32> to vector<16xf32>
              %swap3A_598 = vector.shape_cast %add3A_589 : vector<16xf32> to vector<1x16xf32>
              tpu.vector_store %swap3A_593[%swap3A_594, %swap3A_595], %swap3A_598 {strides = array<i32>} : memref<128x128xf32, #tpu.memory_space<vmem>>, vector<1x16xf32>,
              %scan3A_599 = arith.constant 3 : i32
              %scan3A_600 = arith.addi %scan3A_529, %scan3A_599 : i32
              %mul3A_601 = arith.constant 1 : i32
              %mul3A_602 = arith.muli %scan3A_600, %mul3A_601 : i32
              %add3A_603 = arith.constant 0 : i32
              %add3A_604 = arith.addi %add3A_603, %mul3A_602 : i32
              %get3A_605 = arith.constant 0 : i32
              %get3A_606 = arith.constant 0 : i32
              %get3A_607 = tpu.memref_slice %run_scoped3A[%rem3A_398, %get3A_605, %get3A_606] : memref<2x128x128xf32, #tpu.memory_space<vmem>> -> memref<1x128x128xf32, #tpu.memory_space<vmem>>
              %get3A_608 = tpu.memref_squeeze %get3A_607 : memref<1x128x128xf32, #tpu.memory_space<vmem>> -> memref<128x128xf32, #tpu.memory_space<vmem>>
              %get3A_609 = arith.index_cast %add3A_604 : i32 to index
              %get3A_610 = arith.index_cast %add3A_515 : i32 to index
              %get3A_611 = tpu.vector_load %get3A_608[%get3A_609, %get3A_610] {strides = array<i32>} : memref<128x128xf32, #tpu.memory_space<vmem>>, vector<1x16xf32>,
              %get3A_612 = vector.shape_cast %get3A_611 : vector<1x16xf32> to vector<16xf32>
              %add3A_613 = arith.addf %get3A_612, %get3A_523 : vector<16xf32>
              %swap3A_614 = arith.constant 0 : i32
              %swap3A_615 = arith.constant 0 : i32
              %swap3A_616 = tpu.memref_slice %run_scoped3A_20[%rem3A_402, %swap3A_614, %swap3A_615] : memref<2x128x128xf32, #tpu.memory_space<vmem>> -> memref<1x128x128xf32, #tpu.memory_space<vmem>>
              %swap3A_617 = tpu.memref_squeeze %swap3A_616 : memref<1x128x128xf32, #tpu.memory_space<vmem>> -> memref<128x128xf32, #tpu.memory_space<vmem>>
              %swap3A_618 = arith.index_cast %add3A_604 : i32 to index
              %swap3A_619 = arith.index_cast %add3A_515 : i32 to index
              %swap3A_620 = tpu.vector_load %swap3A_617[%swap3A_618, %swap3A_619] {strides = array<i32>} : memref<128x128xf32, #tpu.memory_space<vmem>>, vector<1x16xf32>,
              %swap3A_621 = vector.shape_cast %swap3A_620 : vector<1x16xf32> to vector<16xf32>
              %swap3A_622 = vector.shape_cast %add3A_613 : vector<16xf32> to vector<1x16xf32>
              tpu.vector_store %swap3A_617[%swap3A_618, %swap3A_619], %swap3A_622 {strides = array<i32>} : memref<128x128xf32, #tpu.memory_space<vmem>>, vector<1x16xf32>,
              %scan3A_623 = arith.constant 4 : i32
              %scan3A_624 = arith.addi %scan3A_529, %scan3A_623 : i32
              %mul3A_625 = arith.constant 1 : i32
              %mul3A_626 = arith.muli %scan3A_624, %mul3A_625 : i32
              %add3A_627 = arith.constant 0 : i32
              %add3A_628 = arith.addi %add3A_627, %mul3A_626 : i32
              %get3A_629 = arith.constant 0 : i32
              %get3A_630 = arith.constant 0 : i32
              %get3A_631 = tpu.memref_slice %run_scoped3A[%rem3A_398, %get3A_629, %get3A_630] : memref<2x128x128xf32, #tpu.memory_space<vmem>> -> memref<1x128x128xf32, #tpu.memory_space<vmem>>
              %get3A_632 = tpu.memref_squeeze %get3A_631 : memref<1x128x128xf32, #tpu.memory_space<vmem>> -> memref<128x128xf32, #tpu.memory_space<vmem>>
              %get3A_633 = arith.index_cast %add3A_628 : i32 to index
              %get3A_634 = arith.index_cast %add3A_515 : i32 to index
              %get3A_635 = tpu.vector_load %get3A_632[%get3A_633, %get3A_634] {strides = array<i32>} : memref<128x128xf32, #tpu.memory_space<vmem>>, vector<1x16xf32>,
              %get3A_636 = vector.shape_cast %get3A_635 : vector<1x16xf32> to vector<16xf32>
              %add3A_637 = arith.addf %get3A_636, %get3A_523 : vector<16xf32>
              %swap3A_638 = arith.constant 0 : i32
              %swap3A_639 = arith.constant 0 : i32
              %swap3A_640 = tpu.memref_slice %run_scoped3A_20[%rem3A_402, %swap3A_638, %swap3A_639] : memref<2x128x128xf32, #tpu.memory_space<vmem>> -> memref<1x128x128xf32, #tpu.memory_space<vmem>>
              %swap3A_641 = tpu.memref_squeeze %swap3A_640 : memref<1x128x128xf32, #tpu.memory_space<vmem>> -> memref<128x128xf32, #tpu.memory_space<vmem>>
              %swap3A_642 = arith.index_cast %add3A_628 : i32 to index
              %swap3A_643 = arith.index_cast %add3A_515 : i32 to index
              %swap3A_644 = tpu.vector_load %swap3A_641[%swap3A_642, %swap3A_643] {strides = array<i32>} : memref<128x128xf32, #tpu.memory_space<vmem>>, vector<1x16xf32>,
              %swap3A_645 = vector.shape_cast %swap3A_644 : vector<1x16xf32> to vector<16xf32>
              %swap3A_646 = vector.shape_cast %add3A_637 : vector<16xf32> to vector<1x16xf32>
              tpu.vector_store %swap3A_641[%swap3A_642, %swap3A_643], %swap3A_646 {strides = array<i32>} : memref<128x128xf32, #tpu.memory_space<vmem>>, vector<1x16xf32>,
              %scan3A_647 = arith.constant 5 : i32
              %scan3A_648 = arith.addi %scan3A_529, %scan3A_647 : i32
              %mul3A_649 = arith.constant 1 : i32
              %mul3A_650 = arith.muli %scan3A_648, %mul3A_649 : i32
              %add3A_651 = arith.constant 0 : i32
              %add3A_652 = arith.addi %add3A_651, %mul3A_650 : i32
              %get3A_653 = arith.constant 0 : i32
              %get3A_654 = arith.constant 0 : i32
              %get3A_655 = tpu.memref_slice %run_scoped3A[%rem3A_398, %get3A_653, %get3A_654] : memref<2x128x128xf32, #tpu.memory_space<vmem>> -> memref<1x128x128xf32, #tpu.memory_space<vmem>>
              %get3A_656 = tpu.memref_squeeze %get3A_655 : memref<1x128x128xf32, #tpu.memory_space<vmem>> -> memref<128x128xf32, #tpu.memory_space<vmem>>
              %get3A_657 = arith.index_cast %add3A_652 : i32 to index
              %get3A_658 = arith.index_cast %add3A_515 : i32 to index
              %get3A_659 = tpu.vector_load %get3A_656[%get3A_657, %get3A_658] {strides = array<i32>} : memref<128x128xf32, #tpu.memory_space<vmem>>, vector<1x16xf32>,
              %get3A_660 = vector.shape_cast %get3A_659 : vector<1x16xf32> to vector<16xf32>
              %add3A_661 = arith.addf %get3A_660, %get3A_523 : vector<16xf32>
              %swap3A_662 = arith.constant 0 : i32
              %swap3A_663 = arith.constant 0 : i32
              %swap3A_664 = tpu.memref_slice %run_scoped3A_20[%rem3A_402, %swap3A_662, %swap3A_663] : memref<2x128x128xf32, #tpu.memory_space<vmem>> -> memref<1x128x128xf32, #tpu.memory_space<vmem>>
              %swap3A_665 = tpu.memref_squeeze %swap3A_664 : memref<1x128x128xf32, #tpu.memory_space<vmem>> -> memref<128x128xf32, #tpu.memory_space<vmem>>
              %swap3A_666 = arith.index_cast %add3A_652 : i32 to index
              %swap3A_667 = arith.index_cast %add3A_515 : i32 to index
              %swap3A_668 = tpu.vector_load %swap3A_665[%swap3A_666, %swap3A_667] {strides = array<i32>} : memref<128x128xf32, #tpu.memory_space<vmem>>, vector<1x16xf32>,
              %swap3A_669 = vector.shape_cast %swap3A_668 : vector<1x16xf32> to vector<16xf32>
              %swap3A_670 = vector.shape_cast %add3A_661 : vector<16xf32> to vector<1x16xf32>
              tpu.vector_store %swap3A_665[%swap3A_666, %swap3A_667], %swap3A_670 {strides = array<i32>} : memref<128x128xf32, #tpu.memory_space<vmem>>, vector<1x16xf32>,
              %scan3A_671 = arith.constant 6 : i32
              %scan3A_672 = arith.addi %scan3A_529, %scan3A_671 : i32
              %mul3A_673 = arith.constant 1 : i32
              %mul3A_674 = arith.muli %scan3A_672, %mul3A_673 : i32
              %add3A_675 = arith.constant 0 : i32
              %add3A_676 = arith.addi %add3A_675, %mul3A_674 : i32
              %get3A_677 = arith.constant 0 : i32
              %get3A_678 = arith.constant 0 : i32
              %get3A_679 = tpu.memref_slice %run_scoped3A[%rem3A_398, %get3A_677, %get3A_678] : memref<2x128x128xf32, #tpu.memory_space<vmem>> -> memref<1x128x128xf32, #tpu.memory_space<vmem>>
              %get3A_680 = tpu.memref_squeeze %get3A_679 : memref<1x128x128xf32, #tpu.memory_space<vmem>> -> memref<128x128xf32, #tpu.memory_space<vmem>>
              %get3A_681 = arith.index_cast %add3A_676 : i32 to index
              %get3A_682 = arith.index_cast %add3A_515 : i32 to index
              %get3A_683 = tpu.vector_load %get3A_680[%get3A_681, %get3A_682] {strides = array<i32>} : memref<128x128xf32, #tpu.memory_space<vmem>>, vector<1x16xf32>,
              %get3A_684 = vector.shape_cast %get3A_683 : vector<1x16xf32> to vector<16xf32>
              %add3A_685 = arith.addf %get3A_684, %get3A_523 : vector<16xf32>
              %swap3A_686 = arith.constant 0 : i32
              %swap3A_687 = arith.constant 0 : i32
              %swap3A_688 = tpu.memref_slice %run_scoped3A_20[%rem3A_402, %swap3A_686, %swap3A_687] : memref<2x128x128xf32, #tpu.memory_space<vmem>> -> memref<1x128x128xf32, #tpu.memory_space<vmem>>
              %swap3A_689 = tpu.memref_squeeze %swap3A_688 : memref<1x128x128xf32, #tpu.memory_space<vmem>> -> memref<128x128xf32, #tpu.memory_space<vmem>>
              %swap3A_690 = arith.index_cast %add3A_676 : i32 to index
              %swap3A_691 = arith.index_cast %add3A_515 : i32 to index
              %swap3A_692 = tpu.vector_load %swap3A_689[%swap3A_690, %swap3A_691] {strides = array<i32>} : memref<128x128xf32, #tpu.memory_space<vmem>>, vector<1x16xf32>,
              %swap3A_693 = vector.shape_cast %swap3A_692 : vector<1x16xf32> to vector<16xf32>
              %swap3A_694 = vector.shape_cast %add3A_685 : vector<16xf32> to vector<1x16xf32>
              tpu.vector_store %swap3A_689[%swap3A_690, %swap3A_691], %swap3A_694 {strides = array<i32>} : memref<128x128xf32, #tpu.memory_space<vmem>>, vector<1x16xf32>,
              %scan3A_695 = arith.constant 7 : i32
              %scan3A_696 = arith.addi %scan3A_529, %scan3A_695 : i32
              %mul3A_697 = arith.constant 1 : i32
              %mul3A_698 = arith.muli %scan3A_696, %mul3A_697 : i32
              %add3A_699 = arith.constant 0 : i32
              %add3A_700 = arith.addi %add3A_699, %mul3A_698 : i32
              %get3A_701 = arith.constant 0 : i32
              %get3A_702 = arith.constant 0 : i32
              %get3A_703 = tpu.memref_slice %run_scoped3A[%rem3A_398, %get3A_701, %get3A_702] : memref<2x128x128xf32, #tpu.memory_space<vmem>> -> memref<1x128x128xf32, #tpu.memory_space<vmem>>
              %get3A_704 = tpu.memref_squeeze %get3A_703 : memref<1x128x128xf32, #tpu.memory_space<vmem>> -> memref<128x128xf32, #tpu.memory_space<vmem>>
              %get3A_705 = arith.index_cast %add3A_700 : i32 to index
              %get3A_706 = arith.index_cast %add3A_515 : i32 to index
              %get3A_707 = tpu.vector_load %get3A_704[%get3A_705, %get3A_706] {strides = array<i32>} : memref<128x128xf32, #tpu.memory_space<vmem>>, vector<1x16xf32>,
              %get3A_708 = vector.shape_cast %get3A_707 : vector<1x16xf32> to vector<16xf32>
              %add3A_709 = arith.addf %get3A_708, %get3A_523 : vector<16xf32>
              %swap3A_710 = arith.constant 0 : i32
              %swap3A_711 = arith.constant 0 : i32
              %swap3A_712 = tpu.memref_slice %run_scoped3A_20[%rem3A_402, %swap3A_710, %swap3A_711] : memref<2x128x128xf32, #tpu.memory_space<vmem>> -> memref<1x128x128xf32, #tpu.memory_space<vmem>>
              %swap3A_713 = tpu.memref_squeeze %swap3A_712 : memref<1x128x128xf32, #tpu.memory_space<vmem>> -> memref<128x128xf32, #tpu.memory_space<vmem>>
              %swap3A_714 = arith.index_cast %add3A_700 : i32 to index
              %swap3A_715 = arith.index_cast %add3A_515 : i32 to index
              %swap3A_716 = tpu.vector_load %swap3A_713[%swap3A_714, %swap3A_715] {strides = array<i32>} : memref<128x128xf32, #tpu.memory_space<vmem>>, vector<1x16xf32>,
              %swap3A_717 = vector.shape_cast %swap3A_716 : vector<1x16xf32> to vector<16xf32>
              %swap3A_718 = vector.shape_cast %add3A_709 : vector<16xf32> to vector<1x16xf32>
              tpu.vector_store %swap3A_713[%swap3A_714, %swap3A_715], %swap3A_718 {strides = array<i32>} : memref<128x128xf32, #tpu.memory_space<vmem>>, vector<1x16xf32>,
              %scan3A_719 = arith.constant 8 : i32
              %scan3A_720 = arith.addi %scan3A_529, %scan3A_719 : i32
              %mul3A_721 = arith.constant 1 : i32
              %mul3A_722 = arith.muli %scan3A_720, %mul3A_721 : i32
              %add3A_723 = arith.constant 0 : i32
              %add3A_724 = arith.addi %add3A_723, %mul3A_722 : i32
              %get3A_725 = arith.constant 0 : i32
              %get3A_726 = arith.constant 0 : i32
              %get3A_727 = tpu.memref_slice %run_scoped3A[%rem3A_398, %get3A_725, %get3A_726] : memref<2x128x128xf32, #tpu.memory_space<vmem>> -> memref<1x128x128xf32, #tpu.memory_space<vmem>>
              %get3A_728 = tpu.memref_squeeze %get3A_727 : memref<1x128x128xf32, #tpu.memory_space<vmem>> -> memref<128x128xf32, #tpu.memory_space<vmem>>
              %get3A_729 = arith.index_cast %add3A_724 : i32 to index
              %get3A_730 = arith.index_cast %add3A_515 : i32 to index
              %get3A_731 = tpu.vector_load %get3A_728[%get3A_729, %get3A_730] {strides = array<i32>} : memref<128x128xf32, #tpu.memory_space<vmem>>, vector<1x16xf32>,
              %get3A_732 = vector.shape_cast %get3A_731 : vector<1x16xf32> to vector<16xf32>
              %add3A_733 = arith.addf %get3A_732, %get3A_523 : vector<16xf32>
              %swap3A_734 = arith.constant 0 : i32
              %swap3A_735 = arith.constant 0 : i32
              %swap3A_736 = tpu.memref_slice %run_scoped3A_20[%rem3A_402, %swap3A_734, %swap3A_735] : memref<2x128x128xf32, #tpu.memory_space<vmem>> -> memref<1x128x128xf32, #tpu.memory_space<vmem>>
              %swap3A_737 = tpu.memref_squeeze %swap3A_736 : memref<1x128x128xf32, #tpu.memory_space<vmem>> -> memref<128x128xf32, #tpu.memory_space<vmem>>
              %swap3A_738 = arith.index_cast %add3A_724 : i32 to index
              %swap3A_739 = arith.index_cast %add3A_515 : i32 to index
              %swap3A_740 = tpu.vector_load %swap3A_737[%swap3A_738, %swap3A_739] {strides = array<i32>} : memref<128x128xf32, #tpu.memory_space<vmem>>, vector<1x16xf32>,
              %swap3A_741 = vector.shape_cast %swap3A_740 : vector<1x16xf32> to vector<16xf32>
              %swap3A_742 = vector.shape_cast %add3A_733 : vector<16xf32> to vector<1x16xf32>
              tpu.vector_store %swap3A_737[%swap3A_738, %swap3A_739], %swap3A_742 {strides = array<i32>} : memref<128x128xf32, #tpu.memory_space<vmem>>, vector<1x16xf32>,
              %scan3A_743 = arith.constant 9 : i32
              %scan3A_744 = arith.addi %scan3A_529, %scan3A_743 : i32
              %mul3A_745 = arith.constant 1 : i32
              %mul3A_746 = arith.muli %scan3A_744, %mul3A_745 : i32
              %add3A_747 = arith.constant 0 : i32
              %add3A_748 = arith.addi %add3A_747, %mul3A_746 : i32
              %get3A_749 = arith.constant 0 : i32
              %get3A_750 = arith.constant 0 : i32
              %get3A_751 = tpu.memref_slice %run_scoped3A[%rem3A_398, %get3A_749, %get3A_750] : memref<2x128x128xf32, #tpu.memory_space<vmem>> -> memref<1x128x128xf32, #tpu.memory_space<vmem>>
              %get3A_752 = tpu.memref_squeeze %get3A_751 : memref<1x128x128xf32, #tpu.memory_space<vmem>> -> memref<128x128xf32, #tpu.memory_space<vmem>>
              %get3A_753 = arith.index_cast %add3A_748 : i32 to index
              %get3A_754 = arith.index_cast %add3A_515 : i32 to index
              %get3A_755 = tpu.vector_load %get3A_752[%get3A_753, %get3A_754] {strides = array<i32>} : memref<128x128xf32, #tpu.memory_space<vmem>>, vector<1x16xf32>,
              %get3A_756 = vector.shape_cast %get3A_755 : vector<1x16xf32> to vector<16xf32>
              %add3A_757 = arith.addf %get3A_756, %get3A_523 : vector<16xf32>
              %swap3A_758 = arith.constant 0 : i32
              %swap3A_759 = arith.constant 0 : i32
              %swap3A_760 = tpu.memref_slice %run_scoped3A_20[%rem3A_402, %swap3A_758, %swap3A_759] : memref<2x128x128xf32, #tpu.memory_space<vmem>> -> memref<1x128x128xf32, #tpu.memory_space<vmem>>
              %swap3A_761 = tpu.memref_squeeze %swap3A_760 : memref<1x128x128xf32, #tpu.memory_space<vmem>> -> memref<128x128xf32, #tpu.memory_space<vmem>>
              %swap3A_762 = arith.index_cast %add3A_748 : i32 to index
              %swap3A_763 = arith.index_cast %add3A_515 : i32 to index
              %swap3A_764 = tpu.vector_load %swap3A_761[%swap3A_762, %swap3A_763] {strides = array<i32>} : memref<128x128xf32, #tpu.memory_space<vmem>>, vector<1x16xf32>,
              %swap3A_765 = vector.shape_cast %swap3A_764 : vector<1x16xf32> to vector<16xf32>
              %swap3A_766 = vector.shape_cast %add3A_757 : vector<16xf32> to vector<1x16xf32>
              tpu.vector_store %swap3A_761[%swap3A_762, %swap3A_763], %swap3A_766 {strides = array<i32>} : memref<128x128xf32, #tpu.memory_space<vmem>>, vector<1x16xf32>,
              %scan3A_767 = arith.constant 10 : i32
              %scan3A_768 = arith.addi %scan3A_529, %scan3A_767 : i32
              %mul3A_769 = arith.constant 1 : i32
              %mul3A_770 = arith.muli %scan3A_768, %mul3A_769 : i32
              %add3A_771 = arith.constant 0 : i32
              %add3A_772 = arith.addi %add3A_771, %mul3A_770 : i32
              %get3A_773 = arith.constant 0 : i32
              %get3A_774 = arith.constant 0 : i32
              %get3A_775 = tpu.memref_slice %run_scoped3A[%rem3A_398, %get3A_773, %get3A_774] : memref<2x128x128xf32, #tpu.memory_space<vmem>> -> memref<1x128x128xf32, #tpu.memory_space<vmem>>
              %get3A_776 = tpu.memref_squeeze %get3A_775 : memref<1x128x128xf32, #tpu.memory_space<vmem>> -> memref<128x128xf32, #tpu.memory_space<vmem>>
              %get3A_777 = arith.index_cast %add3A_772 : i32 to index
              %get3A_778 = arith.index_cast %add3A_515 : i32 to index
              %get3A_779 = tpu.vector_load %get3A_776[%get3A_777, %get3A_778] {strides = array<i32>} : memref<128x128xf32, #tpu.memory_space<vmem>>, vector<1x16xf32>,
              %get3A_780 = vector.shape_cast %get3A_779 : vector<1x16xf32> to vector<16xf32>
              %add3A_781 = arith.addf %get3A_780, %get3A_523 : vector<16xf32>
              %swap3A_782 = arith.constant 0 : i32
              %swap3A_783 = arith.constant 0 : i32
              %swap3A_784 = tpu.memref_slice %run_scoped3A_20[%rem3A_402, %swap3A_782, %swap3A_783] : memref<2x128x128xf32, #tpu.memory_space<vmem>> -> memref<1x128x128xf32, #tpu.memory_space<vmem>>
              %swap3A_785 = tpu.memref_squeeze %swap3A_784 : memref<1x128x128xf32, #tpu.memory_space<vmem>> -> memref<128x128xf32, #tpu.memory_space<vmem>>
              %swap3A_786 = arith.index_cast %add3A_772 : i32 to index
              %swap3A_787 = arith.index_cast %add3A_515 : i32 to index
              %swap3A_788 = tpu.vector_load %swap3A_785[%swap3A_786, %swap3A_787] {strides = array<i32>} : memref<128x128xf32, #tpu.memory_space<vmem>>, vector<1x16xf32>,
              %swap3A_789 = vector.shape_cast %swap3A_788 : vector<1x16xf32> to vector<16xf32>
              %swap3A_790 = vector.shape_cast %add3A_781 : vector<16xf32> to vector<1x16xf32>
              tpu.vector_store %swap3A_785[%swap3A_786, %swap3A_787], %swap3A_790 {strides = array<i32>} : memref<128x128xf32, #tpu.memory_space<vmem>>, vector<1x16xf32>,
              %scan3A_791 = arith.constant 11 : i32
              %scan3A_792 = arith.addi %scan3A_529, %scan3A_791 : i32
              %mul3A_793 = arith.constant 1 : i32
              %mul3A_794 = arith.muli %scan3A_792, %mul3A_793 : i32
              %add3A_795 = arith.constant 0 : i32
              %add3A_796 = arith.addi %add3A_795, %mul3A_794 : i32
              %get3A_797 = arith.constant 0 : i32
              %get3A_798 = arith.constant 0 : i32
              %get3A_799 = tpu.memref_slice %run_scoped3A[%rem3A_398, %get3A_797, %get3A_798] : memref<2x128x128xf32, #tpu.memory_space<vmem>> -> memref<1x128x128xf32, #tpu.memory_space<vmem>>
              %get3A_800 = tpu.memref_squeeze %get3A_799 : memref<1x128x128xf32, #tpu.memory_space<vmem>> -> memref<128x128xf32, #tpu.memory_space<vmem>>
              %get3A_801 = arith.index_cast %add3A_796 : i32 to index
              %get3A_802 = arith.index_cast %add3A_515 : i32 to index
              %get3A_803 = tpu.vector_load %get3A_800[%get3A_801, %get3A_802] {strides = array<i32>} : memref<128x128xf32, #tpu.memory_space<vmem>>, vector<1x16xf32>,
              %get3A_804 = vector.shape_cast %get3A_803 : vector<1x16xf32> to vector<16xf32>
              %add3A_805 = arith.addf %get3A_804, %get3A_523 : vector<16xf32>
              %swap3A_806 = arith.constant 0 : i32
              %swap3A_807 = arith.constant 0 : i32
              %swap3A_808 = tpu.memref_slice %run_scoped3A_20[%rem3A_402, %swap3A_806, %swap3A_807] : memref<2x128x128xf32, #tpu.memory_space<vmem>> -> memref<1x128x128xf32, #tpu.memory_space<vmem>>
              %swap3A_809 = tpu.memref_squeeze %swap3A_808 : memref<1x128x128xf32, #tpu.memory_space<vmem>> -> memref<128x128xf32, #tpu.memory_space<vmem>>
              %swap3A_810 = arith.index_cast %add3A_796 : i32 to index
              %swap3A_811 = arith.index_cast %add3A_515 : i32 to index
              %swap3A_812 = tpu.vector_load %swap3A_809[%swap3A_810, %swap3A_811] {strides = array<i32>} : memref<128x128xf32, #tpu.memory_space<vmem>>, vector<1x16xf32>,
              %swap3A_813 = vector.shape_cast %swap3A_812 : vector<1x16xf32> to vector<16xf32>
              %swap3A_814 = vector.shape_cast %add3A_805 : vector<16xf32> to vector<1x16xf32>
              tpu.vector_store %swap3A_809[%swap3A_810, %swap3A_811], %swap3A_814 {strides = array<i32>} : memref<128x128xf32, #tpu.memory_space<vmem>>, vector<1x16xf32>,
              %scan3A_815 = arith.constant 12 : i32
              %scan3A_816 = arith.addi %scan3A_529, %scan3A_815 : i32
              %mul3A_817 = arith.constant 1 : i32
              %mul3A_818 = arith.muli %scan3A_816, %mul3A_817 : i32
              %add3A_819 = arith.constant 0 : i32
              %add3A_820 = arith.addi %add3A_819, %mul3A_818 : i32
              %get3A_821 = arith.constant 0 : i32
              %get3A_822 = arith.constant 0 : i32
              %get3A_823 = tpu.memref_slice %run_scoped3A[%rem3A_398, %get3A_821, %get3A_822] : memref<2x128x128xf32, #tpu.memory_space<vmem>> -> memref<1x128x128xf32, #tpu.memory_space<vmem>>
              %get3A_824 = tpu.memref_squeeze %get3A_823 : memref<1x128x128xf32, #tpu.memory_space<vmem>> -> memref<128x128xf32, #tpu.memory_space<vmem>>
              %get3A_825 = arith.index_cast %add3A_820 : i32 to index
              %get3A_826 = arith.index_cast %add3A_515 : i32 to index
              %get3A_827 = tpu.vector_load %get3A_824[%get3A_825, %get3A_826] {strides = array<i32>} : memref<128x128xf32, #tpu.memory_space<vmem>>, vector<1x16xf32>,
              %get3A_828 = vector.shape_cast %get3A_827 : vector<1x16xf32> to vector<16xf32>
              %add3A_829 = arith.addf %get3A_828, %get3A_523 : vector<16xf32>
              %swap3A_830 = arith.constant 0 : i32
              %swap3A_831 = arith.constant 0 : i32
              %swap3A_832 = tpu.memref_slice %run_scoped3A_20[%rem3A_402, %swap3A_830, %swap3A_831] : memref<2x128x128xf32, #tpu.memory_space<vmem>> -> memref<1x128x128xf32, #tpu.memory_space<vmem>>
              %swap3A_833 = tpu.memref_squeeze %swap3A_832 : memref<1x128x128xf32, #tpu.memory_space<vmem>> -> memref<128x128xf32, #tpu.memory_space<vmem>>
              %swap3A_834 = arith.index_cast %add3A_820 : i32 to index
              %swap3A_835 = arith.index_cast %add3A_515 : i32 to index
              %swap3A_836 = tpu.vector_load %swap3A_833[%swap3A_834, %swap3A_835] {strides = array<i32>} : memref<128x128xf32, #tpu.memory_space<vmem>>, vector<1x16xf32>,
              %swap3A_837 = vector.shape_cast %swap3A_836 : vector<1x16xf32> to vector<16xf32>
              %swap3A_838 = vector.shape_cast %add3A_829 : vector<16xf32> to vector<1x16xf32>
              tpu.vector_store %swap3A_833[%swap3A_834, %swap3A_835], %swap3A_838 {strides = array<i32>} : memref<128x128xf32, #tpu.memory_space<vmem>>, vector<1x16xf32>,
              %scan3A_839 = arith.constant 13 : i32
              %scan3A_840 = arith.addi %scan3A_529, %scan3A_839 : i32
              %mul3A_841 = arith.constant 1 : i32
              %mul3A_842 = arith.muli %scan3A_840, %mul3A_841 : i32
              %add3A_843 = arith.constant 0 : i32
              %add3A_844 = arith.addi %add3A_843, %mul3A_842 : i32
              %get3A_845 = arith.constant 0 : i32
              %get3A_846 = arith.constant 0 : i32
              %get3A_847 = tpu.memref_slice %run_scoped3A[%rem3A_398, %get3A_845, %get3A_846] : memref<2x128x128xf32, #tpu.memory_space<vmem>> -> memref<1x128x128xf32, #tpu.memory_space<vmem>>
              %get3A_848 = tpu.memref_squeeze %get3A_847 : memref<1x128x128xf32, #tpu.memory_space<vmem>> -> memref<128x128xf32, #tpu.memory_space<vmem>>
              %get3A_849 = arith.index_cast %add3A_844 : i32 to index
              %get3A_850 = arith.index_cast %add3A_515 : i32 to index
              %get3A_851 = tpu.vector_load %get3A_848[%get3A_849, %get3A_850] {strides = array<i32>} : memref<128x128xf32, #tpu.memory_space<vmem>>, vector<1x16xf32>,
              %get3A_852 = vector.shape_cast %get3A_851 : vector<1x16xf32> to vector<16xf32>
              %add3A_853 = arith.addf %get3A_852, %get3A_523 : vector<16xf32>
              %swap3A_854 = arith.constant 0 : i32
              %swap3A_855 = arith.constant 0 : i32
              %swap3A_856 = tpu.memref_slice %run_scoped3A_20[%rem3A_402, %swap3A_854, %swap3A_855] : memref<2x128x128xf32, #tpu.memory_space<vmem>> -> memref<1x128x128xf32, #tpu.memory_space<vmem>>
              %swap3A_857 = tpu.memref_squeeze %swap3A_856 : memref<1x128x128xf32, #tpu.memory_space<vmem>> -> memref<128x128xf32, #tpu.memory_space<vmem>>
              %swap3A_858 = arith.index_cast %add3A_844 : i32 to index
              %swap3A_859 = arith.index_cast %add3A_515 : i32 to index
              %swap3A_860 = tpu.vector_load %swap3A_857[%swap3A_858, %swap3A_859] {strides = array<i32>} : memref<128x128xf32, #tpu.memory_space<vmem>>, vector<1x16xf32>,
              %swap3A_861 = vector.shape_cast %swap3A_860 : vector<1x16xf32> to vector<16xf32>
              %swap3A_862 = vector.shape_cast %add3A_853 : vector<16xf32> to vector<1x16xf32>
              tpu.vector_store %swap3A_857[%swap3A_858, %swap3A_859], %swap3A_862 {strides = array<i32>} : memref<128x128xf32, #tpu.memory_space<vmem>>, vector<1x16xf32>,
              %scan3A_863 = arith.constant 14 : i32
              %scan3A_864 = arith.addi %scan3A_529, %scan3A_863 : i32
              %mul3A_865 = arith.constant 1 : i32
              %mul3A_866 = arith.muli %scan3A_864, %mul3A_865 : i32
              %add3A_867 = arith.constant 0 : i32
              %add3A_868 = arith.addi %add3A_867, %mul3A_866 : i32
              %get3A_869 = arith.constant 0 : i32
              %get3A_870 = arith.constant 0 : i32
              %get3A_871 = tpu.memref_slice %run_scoped3A[%rem3A_398, %get3A_869, %get3A_870] : memref<2x128x128xf32, #tpu.memory_space<vmem>> -> memref<1x128x128xf32, #tpu.memory_space<vmem>>
              %get3A_872 = tpu.memref_squeeze %get3A_871 : memref<1x128x128xf32, #tpu.memory_space<vmem>> -> memref<128x128xf32, #tpu.memory_space<vmem>>
              %get3A_873 = arith.index_cast %add3A_868 : i32 to index
              %get3A_874 = arith.index_cast %add3A_515 : i32 to index
              %get3A_875 = tpu.vector_load %get3A_872[%get3A_873, %get3A_874] {strides = array<i32>} : memref<128x128xf32, #tpu.memory_space<vmem>>, vector<1x16xf32>,
              %get3A_876 = vector.shape_cast %get3A_875 : vector<1x16xf32> to vector<16xf32>
              %add3A_877 = arith.addf %get3A_876, %get3A_523 : vector<16xf32>
              %swap3A_878 = arith.constant 0 : i32
              %swap3A_879 = arith.constant 0 : i32
              %swap3A_880 = tpu.memref_slice %run_scoped3A_20[%rem3A_402, %swap3A_878, %swap3A_879] : memref<2x128x128xf32, #tpu.memory_space<vmem>> -> memref<1x128x128xf32, #tpu.memory_space<vmem>>
              %swap3A_881 = tpu.memref_squeeze %swap3A_880 : memref<1x128x128xf32, #tpu.memory_space<vmem>> -> memref<128x128xf32, #tpu.memory_space<vmem>>
              %swap3A_882 = arith.index_cast %add3A_868 : i32 to index
              %swap3A_883 = arith.index_cast %add3A_515 : i32 to index
              %swap3A_884 = tpu.vector_load %swap3A_881[%swap3A_882, %swap3A_883] {strides = array<i32>} : memref<128x128xf32, #tpu.memory_space<vmem>>, vector<1x16xf32>,
              %swap3A_885 = vector.shape_cast %swap3A_884 : vector<1x16xf32> to vector<16xf32>
              %swap3A_886 = vector.shape_cast %add3A_877 : vector<16xf32> to vector<1x16xf32>
              tpu.vector_store %swap3A_881[%swap3A_882, %swap3A_883], %swap3A_886 {strides = array<i32>} : memref<128x128xf32, #tpu.memory_space<vmem>>, vector<1x16xf32>,
              %scan3A_887 = arith.constant 15 : i32
              %scan3A_888 = arith.addi %scan3A_529, %scan3A_887 : i32
              %mul3A_889 = arith.constant 1 : i32
              %mul3A_890 = arith.muli %scan3A_888, %mul3A_889 : i32
              %add3A_891 = arith.constant 0 : i32
              %add3A_892 = arith.addi %add3A_891, %mul3A_890 : i32
              %get3A_893 = arith.constant 0 : i32
              %get3A_894 = arith.constant 0 : i32
              %get3A_895 = tpu.memref_slice %run_scoped3A[%rem3A_398, %get3A_893, %get3A_894] : memref<2x128x128xf32, #tpu.memory_space<vmem>> -> memref<1x128x128xf32, #tpu.memory_space<vmem>>
              %get3A_896 = tpu.memref_squeeze %get3A_895 : memref<1x128x128xf32, #tpu.memory_space<vmem>> -> memref<128x128xf32, #tpu.memory_space<vmem>>
              %get3A_897 = arith.index_cast %add3A_892 : i32 to index
              %get3A_898 = arith.index_cast %add3A_515 : i32 to index
              %get3A_899 = tpu.vector_load %get3A_896[%get3A_897, %get3A_898] {strides = array<i32>} : memref<128x128xf32, #tpu.memory_space<vmem>>, vector<1x16xf32>,
              %get3A_900 = vector.shape_cast %get3A_899 : vector<1x16xf32> to vector<16xf32>
              %add3A_901 = arith.addf %get3A_900, %get3A_523 : vector<16xf32>
              %swap3A_902 = arith.constant 0 : i32
              %swap3A_903 = arith.constant 0 : i32
              %swap3A_904 = tpu.memref_slice %run_scoped3A_20[%rem3A_402, %swap3A_902, %swap3A_903] : memref<2x128x128xf32, #tpu.memory_space<vmem>> -> memref<1x128x128xf32, #tpu.memory_space<vmem>>
              %swap3A_905 = tpu.memref_squeeze %swap3A_904 : memref<1x128x128xf32, #tpu.memory_space<vmem>> -> memref<128x128xf32, #tpu.memory_space<vmem>>
              %swap3A_906 = arith.index_cast %add3A_892 : i32 to index
              %swap3A_907 = arith.index_cast %add3A_515 : i32 to index
              %swap3A_908 = tpu.vector_load %swap3A_905[%swap3A_906, %swap3A_907] {strides = array<i32>} : memref<128x128xf32, #tpu.memory_space<vmem>>, vector<1x16xf32>,
              %swap3A_909 = vector.shape_cast %swap3A_908 : vector<1x16xf32> to vector<16xf32>
              %swap3A_910 = vector.shape_cast %add3A_901 : vector<16xf32> to vector<1x16xf32>
              tpu.vector_store %swap3A_905[%swap3A_906, %swap3A_907], %swap3A_910 {strides = array<i32>} : memref<128x128xf32, #tpu.memory_space<vmem>>, vector<1x16xf32>,
            }
            %scan3A_528 = arith.constant 128 : i32
          }
          %scan3A_406 = arith.constant 8 : i32
          "tpu.trace_stop"() : () -> ()
          %ne3A_407 = arith.cmpi ne, %add3A_269, %add3A_305 : i32
          %ne3A_408 = arith.cmpi ne, %add3A_270, %add3A_306 : i32
          %or3A_409 = arith.constant false
          %or3A_410 = arith.ori %or3A_409, %ne3A_407 : i1
          %or3A_411 = arith.ori %or3A_410, %ne3A_408 : i1
          %or3A_412 = arith.ori %or3A_411, %eq3A_267 : i1
          %convert_element_type3A_413 = arith.extui %or3A_412 : i1 to i32
          %cond3A_414 = arith.constant 0 : i32
          %cond3A_415 = arith.cmpi ne, %convert_element_type3A_413, %cond3A_414 : i32
          scf.if %cond3A_415 {
          } else {
          }
          %and3A_416 = arith.constant false
          %and3A_417 = arith.andi %or3A_412, %and3A_416 : i1
          %ne3A_418 = arith.cmpi ne, %add3A_270, %add3A_306 : i32
          %or3A_419 = arith.constant false
          %or3A_420 = arith.ori %or3A_419, %ne3A_418 : i1
          %or3A_421 = arith.ori %or3A_420, %eq3A_267 : i1
          %convert_element_type3A_422 = arith.extui %or3A_421 : i1 to i32
          %cond3A_423 = arith.constant 0 : i32
          %cond3A_424 = arith.cmpi ne, %convert_element_type3A_422, %cond3A_423 : i32
          scf.if %cond3A_424 {
          } else {
          }
          %and3A_425 = arith.constant false
          %and3A_426 = arith.andi %or3A_421, %and3A_425 : i1
          %ne3A_427 = arith.cmpi ne, %add3A_269, %add3A_305 : i32
          %ne3A_428 = arith.cmpi ne, %add3A_270, %add3A_306 : i32
          %or3A_429 = arith.constant false
          %or3A_430 = arith.ori %or3A_429, %ne3A_427 : i1
          %or3A_431 = arith.ori %or3A_430, %ne3A_428 : i1
          %or3A_432 = arith.ori %or3A_431, %eq3A_267 : i1
          %convert_element_type3A_433 = arith.extui %or3A_432 : i1 to i32
          %cond3A_434 = arith.constant 0 : i32
          %cond3A_435 = arith.cmpi ne, %convert_element_type3A_433, %cond3A_434 : i32
          scf.if %cond3A_435 {
            "tpu.trace_start"() <{level = 10 : i32, message = "ep_copy_out"}> : () -> ()
            %rem3A_511 = arith.constant 2 : i32
            %rem3A_512 = arith.remui %while3A_257, %rem3A_511 : i32
            %mul3A_513 = arith.constant 128 : i32
            %mul3A_514 = arith.muli %mul3A_513, %add3A_269 : i32
            %mul3A_515 = arith.constant 128 : i32
            %mul3A_516 = arith.muli %mul3A_515, %add3A_270 : i32
            %eq3A_517 = arith.constant 781 : i32
            %eq3A_518 = arith.cmpi eq, %add3A_270, %eq3A_517 : i32
            %jit3A_519 = arith.constant 128 : i32
            %jit3A_520 = arith.constant 128 : i32
            %select_n3A_521 = arith.select %eq3A_518, %jit3A_519, %jit3A_520 : i32
            %multiple_of3A_522 = tpu.assume_multiple %select_n3A_521, 128 : i32
            %mul3A_523 = arith.constant 128 : i32
            %mul3A_524 = arith.muli %add3A_270, %mul3A_523 : i32
            %dma_start3A_525 = arith.constant 0 : i32
            %dma_start3A_526 = arith.constant 0 : i32
            %dma_start3A_527 = tpu.memref_slice %run_scoped3A_20[%rem3A_512, %dma_start3A_525, %dma_start3A_526] <%multiple_of3A_522> : memref<2x128x128xf32, #tpu.memory_space<vmem>> -> memref<1x128x?xf32, #tpu.memory_space<vmem>>
            %dma_start3A_528 = tpu.memref_squeeze %dma_start3A_527 : memref<1x128x?xf32, #tpu.memory_space<vmem>> -> memref<128x?xf32, #tpu.memory_space<vmem>>
            %dma_start3A_529 = tpu.memref_slice %arg4[%mul3A_514, %mul3A_524] <%multiple_of3A_522> : memref<1024x100000xf32, #tpu.memory_space<hbm>> -> memref<128x?xf32, #tpu.memory_space<hbm>>
            %dma_start3A_530 = tpu.memref_slice %run_scoped3A_21[%rem3A_512] : memref<2x!tpu.dma_semaphore, #tpu.memory_space<semaphore_mem>> -> memref<1x!tpu.dma_semaphore, #tpu.memory_space<semaphore_mem>>
            %dma_start3A_531 = tpu.memref_squeeze %dma_start3A_530 : memref<1x!tpu.dma_semaphore, #tpu.memory_space<semaphore_mem>> -> memref<!tpu.dma_semaphore, #tpu.memory_space<semaphore_mem>>
            %dma_start3A_532 = tpu.memref_slice %arg4[%mul3A_514, %mul3A_524] <%multiple_of3A_522> : memref<1024x100000xf32, #tpu.memory_space<hbm>> -> memref<128x?xf32, #tpu.memory_space<hbm>>
            %dma_start3A_533 = arith.constant 0 : i32
            %dma_start3A_534 = arith.constant 0 : i32
            %dma_start3A_535 = tpu.memref_slice %run_scoped3A_20[%rem3A_512, %dma_start3A_533, %dma_start3A_534] <%multiple_of3A_522> : memref<2x128x128xf32, #tpu.memory_space<vmem>> -> memref<1x128x?xf32, #tpu.memory_space<vmem>>
            %dma_start3A_536 = tpu.memref_squeeze %dma_start3A_535 : memref<1x128x?xf32, #tpu.memory_space<vmem>> -> memref<128x?xf32, #tpu.memory_space<vmem>>
            tpu.enqueue_dma source(%dma_start3A_536 : memref<128x?xf32, #tpu.memory_space<vmem>>) target(%dma_start3A_532 : memref<128x?xf32, #tpu.memory_space<hbm>>) target_semaphore(%dma_start3A_531 : memref<!tpu.dma_semaphore, #tpu.memory_space<semaphore_mem>>)
            "tpu.trace_stop"() : () -> ()
          } else {
          }
          %and3A_436 = arith.constant true
          %and3A_437 = arith.andi %or3A_432, %and3A_436 : i1
          %add3A_438 = arith.constant 1 : i32
          %add3A_439 = arith.addi %while3A_257, %add3A_438 : i32
          %select_n3A_440 = arith.select %and3A_437, %add3A_439, %while3A_257 : i32
          %ne3A_441 = arith.cmpi ne, %add3A_269, %add3A_288 : i32
          %ne3A_442 = arith.cmpi ne, %add3A_270, %add3A_289 : i32
          %or3A_443 = arith.constant false
          %or3A_444 = arith.ori %or3A_443, %ne3A_441 : i1
          %or3A_445 = arith.ori %or3A_444, %ne3A_442 : i1
          %not3A_446 = arith.constant true
          %not3A_447 = arith.xori %eq3A_264, %not3A_446 : i1
          %and3A_448 = arith.andi %or3A_445, %not3A_447 : i1
          %convert_element_type3A_449 = arith.extui %and3A_448 : i1 to i32
          %cond3A_450 = arith.constant 0 : i32
          %cond3A_451 = arith.cmpi ne, %convert_element_type3A_449, %cond3A_450 : i32
          scf.if %cond3A_451 {
          } else {
          }
          %and3A_452 = arith.constant false
          %and3A_453 = arith.andi %and3A_448, %and3A_452 : i1
          %ne3A_454 = arith.cmpi ne, %add3A_270, %add3A_289 : i32
          %or3A_455 = arith.constant false
          %or3A_456 = arith.ori %or3A_455, %ne3A_454 : i1
          %not3A_457 = arith.constant true
          %not3A_458 = arith.xori %eq3A_264, %not3A_457 : i1
          %and3A_459 = arith.andi %or3A_456, %not3A_458 : i1
          %convert_element_type3A_460 = arith.extui %and3A_459 : i1 to i32
          %cond3A_461 = arith.constant 0 : i32
          %cond3A_462 = arith.cmpi ne, %convert_element_type3A_460, %cond3A_461 : i32
          scf.if %cond3A_462 {
          } else {
          }
          %and3A_463 = arith.constant false
          %and3A_464 = arith.andi %and3A_459, %and3A_463 : i1
          %ne3A_465 = arith.cmpi ne, %add3A_269, %add3A_288 : i32
          %ne3A_466 = arith.cmpi ne, %add3A_270, %add3A_289 : i32
          %or3A_467 = arith.constant false
          %or3A_468 = arith.ori %or3A_467, %ne3A_465 : i1
          %or3A_469 = arith.ori %or3A_468, %ne3A_466 : i1
          %not3A_470 = arith.constant true
          %not3A_471 = arith.xori %eq3A_264, %not3A_470 : i1
          %and3A_472 = arith.andi %or3A_469, %not3A_471 : i1
          %convert_element_type3A_473 = arith.extui %and3A_472 : i1 to i32
          %cond3A_474 = arith.constant 0 : i32
          %cond3A_475 = arith.cmpi ne, %convert_element_type3A_473, %cond3A_474 : i32
          scf.if %cond3A_475 {
            "tpu.trace_start"() <{level = 10 : i32, message = "ep_wait_out"}> : () -> ()
            %rem3A_511 = arith.constant 2 : i32
            %rem3A_512 = arith.remui %while3A_258, %rem3A_511 : i32
            %mul3A_513 = arith.constant 128 : i32
            %mul3A_514 = arith.muli %mul3A_513, %add3A_288 : i32
            %mul3A_515 = arith.constant 128 : i32
            %mul3A_516 = arith.muli %mul3A_515, %add3A_289 : i32
            %eq3A_517 = arith.constant 781 : i32
            %eq3A_518 = arith.cmpi eq, %add3A_289, %eq3A_517 : i32
            %jit3A_519 = arith.constant 128 : i32
            %jit3A_520 = arith.constant 128 : i32
            %select_n3A_521 = arith.select %eq3A_518, %jit3A_519, %jit3A_520 : i32
            %multiple_of3A_522 = tpu.assume_multiple %select_n3A_521, 128 : i32
            %mul3A_523 = arith.constant 128 : i32
            %mul3A_524 = arith.muli %add3A_289, %mul3A_523 : i32
            %dma_wait3A = arith.constant 0 : i32
            %dma_wait3A_525 = arith.constant 0 : i32
            %dma_wait3A_526 = tpu.memref_slice %run_scoped3A_20[%rem3A_512, %dma_wait3A, %dma_wait3A_525] <%multiple_of3A_522> : memref<2x128x128xf32, #tpu.memory_space<vmem>> -> memref<1x128x?xf32, #tpu.memory_space<vmem>>
            %dma_wait3A_527 = tpu.memref_squeeze %dma_wait3A_526 : memref<1x128x?xf32, #tpu.memory_space<vmem>> -> memref<128x?xf32, #tpu.memory_space<vmem>>
            %dma_wait3A_528 = tpu.memref_slice %arg4[%mul3A_514, %mul3A_524] <%multiple_of3A_522> : memref<1024x100000xf32, #tpu.memory_space<hbm>> -> memref<128x?xf32, #tpu.memory_space<hbm>>
            %dma_wait3A_529 = tpu.memref_slice %run_scoped3A_21[%rem3A_512] : memref<2x!tpu.dma_semaphore, #tpu.memory_space<semaphore_mem>> -> memref<1x!tpu.dma_semaphore, #tpu.memory_space<semaphore_mem>>
            %dma_wait3A_530 = tpu.memref_squeeze %dma_wait3A_529 : memref<1x!tpu.dma_semaphore, #tpu.memory_space<semaphore_mem>> -> memref<!tpu.dma_semaphore, #tpu.memory_space<semaphore_mem>>
            %dma_wait3A_531 = tpu.memref_slice %arg4[%mul3A_514, %mul3A_524] <%multiple_of3A_522> : memref<1024x100000xf32, #tpu.memory_space<hbm>> -> memref<128x?xf32, #tpu.memory_space<hbm>>
            %dma_wait3A_532 = arith.constant 0 : i32
            %dma_wait3A_533 = arith.constant 0 : i32
            %dma_wait3A_534 = tpu.memref_slice %run_scoped3A_20[%rem3A_512, %dma_wait3A_532, %dma_wait3A_533] <%multiple_of3A_522> : memref<2x128x128xf32, #tpu.memory_space<vmem>> -> memref<1x128x?xf32, #tpu.memory_space<vmem>>
            %dma_wait3A_535 = tpu.memref_squeeze %dma_wait3A_534 : memref<1x128x?xf32, #tpu.memory_space<vmem>> -> memref<128x?xf32, #tpu.memory_space<vmem>>
            tpu.wait_dma2 semaphore(%dma_wait3A_530 : memref<!tpu.dma_semaphore, #tpu.memory_space<semaphore_mem>>) src(%dma_wait3A_535 : memref<128x?xf32, #tpu.memory_space<vmem>>) dst(%dma_wait3A_531 : memref<128x?xf32, #tpu.memory_space<hbm>>)
            "tpu.trace_stop"() : () -> ()
          } else {
          }
          %and3A_476 = arith.constant true
          %and3A_477 = arith.andi %and3A_472, %and3A_476 : i1
          %add3A_478 = arith.constant 1 : i32
          %add3A_479 = arith.addi %while3A_258, %add3A_478 : i32
          %select_n3A_480 = arith.select %and3A_477, %add3A_479, %while3A_258 : i32
          %ne3A_481 = arith.cmpi ne, %add3A_269, %add3A_305 : i32
          %ne3A_482 = arith.cmpi ne, %add3A_270, %add3A_306 : i32
          %or3A_483 = arith.constant false
          %or3A_484 = arith.ori %or3A_483, %ne3A_481 : i1
          %or3A_485 = arith.ori %or3A_484, %ne3A_482 : i1
          %or3A_486 = arith.ori %or3A_485, %eq3A_267 : i1
          %add3A_487 = arith.constant 1 : i32
          %add3A_488 = arith.addi %while3A_254, %add3A_487 : i32
          %select_n3A_489 = arith.select %or3A_486, %add3A_488, %while3A_254 : i32
          %ne3A_490 = arith.cmpi ne, %add3A_270, %add3A_306 : i32
          %or3A_491 = arith.constant false
          %or3A_492 = arith.ori %or3A_491, %ne3A_490 : i1
          %or3A_493 = arith.ori %or3A_492, %eq3A_267 : i1
          %add3A_494 = arith.constant 1 : i32
          %add3A_495 = arith.addi %while3A_256, %add3A_494 : i32
          %select_n3A_496 = arith.select %or3A_493, %add3A_495, %while3A_256 : i32
          %add3A_497 = arith.constant 1 : i32
          %add3A_498 = arith.addi %while3A_260, %add3A_497 : i32
          %select_n3A_499 = arith.constant true
          %select_n3A_500 = arith.select %select_n3A_499, %add3A_498, %while3A_260 : i32
          %eq3A_501 = arith.cmpi eq, %select_n3A_500, %select_n3A : i32
          %select_n3A_502 = arith.constant 0 : i32
          %select_n3A_503 = arith.select %eq3A_501, %select_n3A_502, %select_n3A_500 : i32
          %add3A_504 = arith.constant 1 : i32
          %add3A_505 = arith.addi %while3A_259, %add3A_504 : i32
          %select_n3A_506 = arith.select %eq3A_501, %add3A_505, %while3A_259 : i32
          %eq3A_507 = arith.constant 8 : i32
          %eq3A_508 = arith.cmpi eq, %select_n3A_506, %eq3A_507 : i32
          %select_n3A_509 = arith.constant 0 : i32
          %select_n3A_510 = arith.select %eq3A_508, %select_n3A_509, %select_n3A_506 : i32
          scf.yield %select_n3A_339, %select_n3A_489, %select_n3A_358, %select_n3A_496, %select_n3A_440, %select_n3A_480, %select_n3A_510, %select_n3A_503 : i32, i32, i32, i32, i32, i32, i32, i32
        }
        %sub3A_162 = arith.constant 1 : i32
        %sub3A_163 = arith.subi %while3A_161#7, %sub3A_162 : i32
        %select_n3A_164 = arith.constant true
        %select_n3A_165 = arith.select %select_n3A_164, %sub3A_163, %while3A_161#7 : i32
        %eq3A_166 = arith.constant -1 : i32
        %eq3A_167 = arith.cmpi eq, %select_n3A_165, %eq3A_166 : i32
        %sub3A_168 = arith.constant 1 : i32
        %sub3A_169 = arith.subi %select_n3A, %sub3A_168 : i32
        %select_n3A_170 = arith.select %eq3A_167, %sub3A_169, %select_n3A_165 : i32
        %sub3A_171 = arith.constant 1 : i32
        %sub3A_172 = arith.subi %while3A_161#6, %sub3A_171 : i32
        %select_n3A_173 = arith.select %eq3A_167, %sub3A_172, %while3A_161#6 : i32
        %eq3A_174 = arith.constant -1 : i32
        %eq3A_175 = arith.cmpi eq, %select_n3A_173, %eq3A_174 : i32
        %select_n3A_176 = arith.constant 7 : i32
        %select_n3A_177 = arith.select %eq3A_175, %select_n3A_176, %select_n3A_173 : i32
        %sub3A_178 = arith.constant 1 : i32
        %sub3A_179 = arith.subi %mul3A_16, %sub3A_178 : i32
        %mul3A_180 = arith.constant 8 : i32
        %mul3A_181 = arith.muli %mul3A_180, %select_n3A : i32
        %eq3A_182 = arith.constant 0 : i32
        %eq3A_183 = arith.cmpi eq, %sub3A_179, %eq3A_182 : i32
        %sub3A_184 = arith.constant 1 : i32
        %sub3A_185 = arith.subi %mul3A_181, %sub3A_184 : i32
        %eq3A_186 = arith.cmpi eq, %sub3A_179, %sub3A_185 : i32
        %add3A_187 = arith.constant 0 : i32
        %add3A_188 = arith.addi %select_n3A_177, %add3A_187 : i32
        %add3A_189 = arith.addi %select_n3A_170, %select_n3A_14 : i32
        %sub3A_190 = arith.constant 1 : i32
        %sub3A_191 = arith.subi %select_n3A_170, %sub3A_190 : i32
        %select_n3A_192 = arith.constant true
        %select_n3A_193 = arith.select %select_n3A_192, %sub3A_191, %select_n3A_170 : i32
        %eq3A_194 = arith.constant -1 : i32
        %eq3A_195 = arith.cmpi eq, %select_n3A_193, %eq3A_194 : i32
        %sub3A_196 = arith.constant 1 : i32
        %sub3A_197 = arith.subi %select_n3A, %sub3A_196 : i32
        %select_n3A_198 = arith.select %eq3A_195, %sub3A_197, %select_n3A_193 : i32
        %sub3A_199 = arith.constant 1 : i32
        %sub3A_200 = arith.subi %select_n3A_177, %sub3A_199 : i32
        %select_n3A_201 = arith.select %eq3A_195, %sub3A_200, %select_n3A_177 : i32
        %eq3A_202 = arith.constant -1 : i32
        %eq3A_203 = arith.cmpi eq, %select_n3A_201, %eq3A_202 : i32
        %select_n3A_204 = arith.constant 7 : i32
        %select_n3A_205 = arith.select %eq3A_203, %select_n3A_204, %select_n3A_201 : i32
        %add3A_206 = arith.constant 0 : i32
        %add3A_207 = arith.addi %select_n3A_205, %add3A_206 : i32
        %add3A_208 = arith.addi %select_n3A_198, %select_n3A_14 : i32
        %add3A_209 = arith.constant 1 : i32
        %add3A_210 = arith.addi %select_n3A_170, %add3A_209 : i32
        %select_n3A_211 = arith.constant true
        %select_n3A_212 = arith.select %select_n3A_211, %add3A_210, %select_n3A_170 : i32
        %eq3A_213 = arith.cmpi eq, %select_n3A_212, %select_n3A : i32
        %select_n3A_214 = arith.constant 0 : i32
        %select_n3A_215 = arith.select %eq3A_213, %select_n3A_214, %select_n3A_212 : i32
        %add3A_216 = arith.constant 1 : i32
        %add3A_217 = arith.addi %select_n3A_177, %add3A_216 : i32
        %select_n3A_218 = arith.select %eq3A_213, %add3A_217, %select_n3A_177 : i32
        %eq3A_219 = arith.constant 8 : i32
        %eq3A_220 = arith.cmpi eq, %select_n3A_218, %eq3A_219 : i32
        %select_n3A_221 = arith.constant 0 : i32
        %select_n3A_222 = arith.select %eq3A_220, %select_n3A_221, %select_n3A_218 : i32
        %add3A_223 = arith.constant 0 : i32
        %add3A_224 = arith.addi %select_n3A_222, %add3A_223 : i32
        %add3A_225 = arith.addi %select_n3A_215, %select_n3A_14 : i32
        %add3A_226 = arith.constant 1 : i32
        %add3A_227 = arith.addi %select_n3A_215, %add3A_226 : i32
        %select_n3A_228 = arith.constant true
        %select_n3A_229 = arith.select %select_n3A_228, %add3A_227, %select_n3A_215 : i32
        %eq3A_230 = arith.cmpi eq, %select_n3A_229, %select_n3A : i32
        %select_n3A_231 = arith.constant 0 : i32
        %select_n3A_232 = arith.select %eq3A_230, %select_n3A_231, %select_n3A_229 : i32
        %add3A_233 = arith.constant 1 : i32
        %add3A_234 = arith.addi %select_n3A_222, %add3A_233 : i32
        %select_n3A_235 = arith.select %eq3A_230, %add3A_234, %select_n3A_222 : i32
        %eq3A_236 = arith.constant 8 : i32
        %eq3A_237 = arith.cmpi eq, %select_n3A_235, %eq3A_236 : i32
        %select_n3A_238 = arith.constant 0 : i32
        %select_n3A_239 = arith.select %eq3A_237, %select_n3A_238, %select_n3A_235 : i32
        %add3A_240 = arith.constant 0 : i32
        %add3A_241 = arith.addi %select_n3A_239, %add3A_240 : i32
        %add3A_242 = arith.addi %select_n3A_232, %select_n3A_14 : i32
        %convert_element_type3A_243 = arith.extui %eq3A_186 : i1 to i32
        %cond3A_244 = arith.constant 0 : i32
        %cond3A_245 = arith.cmpi ne, %convert_element_type3A_243, %cond3A_244 : i32
        scf.if %cond3A_245 {
        } else {
        }
        %convert_element_type3A_246 = arith.extui %eq3A_186 : i1 to i32
        %cond3A_247 = arith.constant 0 : i32
        %cond3A_248 = arith.cmpi ne, %convert_element_type3A_246, %cond3A_247 : i32
        scf.if %cond3A_248 {
        } else {
        }
        %convert_element_type3A_249 = arith.extui %eq3A_186 : i1 to i32
        %cond3A_250 = arith.constant 0 : i32
        %cond3A_251 = arith.cmpi ne, %convert_element_type3A_249, %cond3A_250 : i32
        scf.if %cond3A_251 {
          "tpu.trace_start"() <{level = 10 : i32, message = "ep_finalize"}> : () -> ()
          %rem3A_252 = arith.constant 2 : i32
          %rem3A_253 = arith.remui %while3A_161#5, %rem3A_252 : i32
          %mul3A_254 = arith.constant 128 : i32
          %mul3A_255 = arith.muli %mul3A_254, %add3A_188 : i32
          %mul3A_256 = arith.constant 128 : i32
          %mul3A_257 = arith.muli %mul3A_256, %add3A_189 : i32
          %eq3A_258 = arith.constant 781 : i32
          %eq3A_259 = arith.cmpi eq, %add3A_189, %eq3A_258 : i32
          %jit3A_260 = arith.constant 128 : i32
          %jit3A_261 = arith.constant 128 : i32
          %select_n3A_262 = arith.select %eq3A_259, %jit3A_260, %jit3A_261 : i32
          %multiple_of3A_263 = tpu.assume_multiple %select_n3A_262, 128 : i32
          %mul3A_264 = arith.constant 128 : i32
          %mul3A_265 = arith.muli %add3A_189, %mul3A_264 : i32
          %dma_wait3A = arith.constant 0 : i32
          %dma_wait3A_266 = arith.constant 0 : i32
          %dma_wait3A_267 = tpu.memref_slice %run_scoped3A_20[%rem3A_253, %dma_wait3A, %dma_wait3A_266] <%multiple_of3A_263> : memref<2x128x128xf32, #tpu.memory_space<vmem>> -> memref<1x128x?xf32, #tpu.memory_space<vmem>>
          %dma_wait3A_268 = tpu.memref_squeeze %dma_wait3A_267 : memref<1x128x?xf32, #tpu.memory_space<vmem>> -> memref<128x?xf32, #tpu.memory_space<vmem>>
          %dma_wait3A_269 = tpu.memref_slice %arg4[%mul3A_255, %mul3A_265] <%multiple_of3A_263> : memref<1024x100000xf32, #tpu.memory_space<hbm>> -> memref<128x?xf32, #tpu.memory_space<hbm>>
          %dma_wait3A_270 = tpu.memref_slice %run_scoped3A_21[%rem3A_253] : memref<2x!tpu.dma_semaphore, #tpu.memory_space<semaphore_mem>> -> memref<1x!tpu.dma_semaphore, #tpu.memory_space<semaphore_mem>>
          %dma_wait3A_271 = tpu.memref_squeeze %dma_wait3A_270 : memref<1x!tpu.dma_semaphore, #tpu.memory_space<semaphore_mem>> -> memref<!tpu.dma_semaphore, #tpu.memory_space<semaphore_mem>>
          %dma_wait3A_272 = tpu.memref_slice %arg4[%mul3A_255, %mul3A_265] <%multiple_of3A_263> : memref<1024x100000xf32, #tpu.memory_space<hbm>> -> memref<128x?xf32, #tpu.memory_space<hbm>>
          %dma_wait3A_273 = arith.constant 0 : i32
          %dma_wait3A_274 = arith.constant 0 : i32
          %dma_wait3A_275 = tpu.memref_slice %run_scoped3A_20[%rem3A_253, %dma_wait3A_273, %dma_wait3A_274] <%multiple_of3A_263> : memref<2x128x128xf32, #tpu.memory_space<vmem>> -> memref<1x128x?xf32, #tpu.memory_space<vmem>>
          %dma_wait3A_276 = tpu.memref_squeeze %dma_wait3A_275 : memref<1x128x?xf32, #tpu.memory_space<vmem>> -> memref<128x?xf32, #tpu.memory_space<vmem>>
          tpu.wait_dma2 semaphore(%dma_wait3A_271 : memref<!tpu.dma_semaphore, #tpu.memory_space<semaphore_mem>>) src(%dma_wait3A_276 : memref<128x?xf32, #tpu.memory_space<vmem>>) dst(%dma_wait3A_272 : memref<128x?xf32, #tpu.memory_space<hbm>>)
          "tpu.trace_stop"() : () -> ()
        } else {
        }
      } else {
      }
      tpu.yield
    }) : () -> ()
    return
  }
}

module attributes {stable_mosaic.version = 14 : i64} {
  func.func @_tail_kernel(%arg0: i32, %arg1: memref<1024x32xf32, #tpu.memory_space<vmem>>, %arg2: memref<1x32xf32, #tpu.memory_space<vmem>>, %arg3: memref<1024x32xf32, #tpu.memory_space<vmem>>) attributes {dimension_semantics = [#tpu.dimension_semantics<arbitrary>], iteration_bounds = array<i64: 1>, scalar_prefetch = 0 : i64, scratch_operands = 0 : i64, tpu.core_type = #tpu.core_type<tc>, window_params = [{pipeline_mode = #tpu.pipeline_mode<synchronous>, transform_indices = @transform_0, window_bounds = array<i64: 1024, 32>}, {pipeline_mode = #tpu.pipeline_mode<synchronous>, transform_indices = @transform_1, window_bounds = array<i64: 1, 32>}, {pipeline_mode = #tpu.pipeline_mode<synchronous>, transform_indices = @transform_2, window_bounds = array<i64: 1024, 32>}]} {
    %get3A = arith.constant 0 : index
    %get3A_0 = arith.constant 0 : index
    %get3A_1 = vector.load %arg1[%get3A, %get3A_0] : memref<1024x32xf32, #tpu.memory_space<vmem>>, vector<1024x32xf32>
    %get3A_2 = arith.constant 0 : index
    %get3A_3 = arith.constant 0 : index
    %get3A_4 = vector.load %arg2[%get3A_2, %get3A_3] : memref<1x32xf32, #tpu.memory_space<vmem>>, vector<1x32xf32>
    %add3A = vector.broadcast %get3A_4 : vector<1x32xf32> to vector<1024x32xf32>
    %add3A_5 = arith.addf %get3A_1, %add3A : vector<1024x32xf32>
    %swap3A = arith.constant 0 : index
    %swap3A_6 = arith.constant 0 : index
    %swap3A_7 = vector.load %arg3[%swap3A, %swap3A_6] : memref<1024x32xf32, #tpu.memory_space<vmem>>, vector<1024x32xf32>
    tpu.vector_store %arg3[%swap3A, %swap3A_6], %add3A_5 {strides = array<i32>} : memref<1024x32xf32, #tpu.memory_space<vmem>>, vector<1024x32xf32>,
    return
  }
  func.func @transform_0(%arg0: i32) -> (i32, i32) {
    %c0_i32 = arith.constant 0 : i32
    %c0_i32_0 = arith.constant 0 : i32
    %c0_i32_1 = arith.constant 0 : i32
    return %c0_i32, %c0_i32_0 : i32, i32
  }
  func.func @transform_1(%arg0: i32) -> (i32, i32) {
    %c0_i32 = arith.constant 0 : i32
    %c0_i32_0 = arith.constant 0 : i32
    %c0_i32_1 = arith.constant 0 : i32
    return %c0_i32, %c0_i32_0 : i32, i32
  }
  func.func @transform_2(%arg0: i32) -> (i32, i32) {
    %c0_i32 = arith.constant 0 : i32
    %c0_i32_0 = arith.constant 0 : i32
    %c0_i32_1 = arith.constant 0 : i32
    return %c0_i32, %c0_i32_0 : i32, i32
  }
}

</mosaic_0001>

<sc_bundles>
// kernel: kernel.4.cloned.1.call-start
scs
__scs_entry_jumppad:
0x0: {  	(pc) =	sbr.rel $0x88, $3  }
0x1: {  	(tag) =	ssettag $0x0;
	lr =	simm.s32 $0x1  }
0x2: {  	[smem:$0x3F9F] =	sst lr;
	_ =	strace $0xD0000000  }
0x3: {  	_ = 	snop  }
0x4: {  	_ = 	snop  }
0x5: {  	_ = 	snop  }
0x6: {  	_ = 	snop  }
0x7: {  	_ = 	snop  }
__scs_overlays_trampoline_lowered:
0x8: {  	[smem:$0x3FAE] =	sst s0  }
0x9: {  	[smem:$0x3FAF] =	sst s1  }
0xa: {  	[smem:$0x3FB0] =	sst s2  }
0xb: {  	[smem:$0x3FB1] =	sst s3  }
0xc: {  	[smem:$0x3FB2] =	sst s4  }
0xd: {  	[smem:$0x3FB3] =	sst s5  }
0xe: {  	[smem:$0x3FB4] =	sst s6  }
0xf: {  	[smem:$0x3FB5] =	sst s7  }
0x10: {  	[smem:$0x3FB6] =	sst s8  }
0x11: {  	[smem:$0x3FB7] =	sst s9;
	s0 =	simm.s32 @!p0 $0x0  }
0x12: {  	s1 =	sld [smem:$0x3F9D];
	s0 =	simm.s32 @p0 $0x1  }
0x13: {  	[smem:$0x3FB8] =	sst s0;
	s0 =	simm.s32 @!p1 $0x0  }
0x14: {  	s2 =	sld [smem:$0x3F9C];
	s0 =	simm.s32 @p1 $0x1  }
0x15: {  	[smem:$0x3FB9] =	sst s0;
	s0 =	simm.s32 @!p2 $0x0  }
0x16: {  	s3 =	sld [smem:$0x3FDB];
	s0 =	simm.s32 @p2 $0x1  }
0x17: {  	s4 =	simm.s32 $0x1BF5;
	[smem:$0x3FBB] =	sst s0  }
0x18: {  	s0 =	sld [smem:$0x3F9E];
	_ =	swait.ge [sflag:s4], $0x0  }
0x19: {  	s7 =	sld [smem:$0x3F9F]  }
0x1a: {  	s8 =	sadd.s32 $0xFFFFE003, lr  }
0x1b: {  	s9 =	sadd.s32 $0xFFFFFEF7, lr;
	s5 =	simm.s32 $0xFFFFFFFF;
	p2 =	slt.u32 s8, $0xFFFFF086  }
0x1c: {  	p1 =	slt.u32 s9, $0xF7A;
	s5 =	simm.s32 @!p2 $0x0  }
0x1d: {  	s5 =	simm.s32 @p1 $0x1;
	p0 =	seq.s32 s7, s2  }
0x1e: {  	s7 =	smul.u32 @!p0 $0xF7A, s2;
	p2 =	seq.s32 @!p0 s5, $0x0  }
0x1f: {  	s9 =	smul.u32 $0xF7A, s1;
	s8 =	simm.s32 @!p0 $0x1BF5;
	p2 =	por !p2, p0  }
0x20: {  	[sflag:s8] =	ssyncset.s32 @!p0 $0xFFFFF086;
	s6 =	sadd.s32 @!p0 s3, s7;
	s7 =	simm.s32 @!p0 $0x108  }
0x21: {  	s3 =	sadd.s32 s3, s9;
	s6 =	sadd.s32 @!p0 $0x88, s6;
	s7 =	simm.s32 @p2 $0x1082  }
0x22: {  	[simem:s7], [sflag:s8] =	dma.local @!p0 [hbm:s6], $0xF7A  }
0x23: {  	s9 =	sor.u32 $0xD0000000, s2;
	s6 =	simm.s32 $0x108;
	_ =	swait.ge @!p0 [sflag:s8], $0x0  }
0x24: {  	s3 =	sadd.s32 $0x88, s3;
	s6 =	simm.s32 @!p1 $0x1082;
	[sflag:s4] =	ssyncset.s32 $0xFFFFF086  }
0x25: {  	[simem:s6], [sflag:s4] =	dma.local [hbm:s3], $0xF7A  }
0x26: {  	[smem:$0x3F9F] =	sst s1;
	(tag) =	ssettag s2;
	_ =	strace s9  }
0x27: {  	s1 =	sld [smem:$0x3FAF]  }
0x28: {  	s2 =	sld [smem:$0x3FB0]  }
0x29: {  	s4 =	sld [smem:$0x3FB2]  }
0x2a: {  	p0 =	seq.s32 s5, $0x0;
	s5 =	sld [smem:$0x3FB3]  }
0x2b: {  	s6 =	sld [smem:$0x3FB4]  }
0x2c: {  	s7 =	sld [smem:$0x3FB5]  }
0x2d: {  	s3 =	simm.s32 $0x108;
	s8 =	sld [smem:$0x3FB6]  }
0x2e: {  	s3 =	simm.s32 @!p0 $0x1082;
	s9 =	sld [smem:$0x3FB7]  }
0x2f: {  	lr =	sadd.s32 s0, s3;
	s0 =	sld [smem:$0x3FAE]  }
0x30: {  	s3 =	sld [smem:$0x3FB1]  }
0x31: {  	[smem:$0x3FBA] =	sst s10  }
0x32: {  	s10 =	sld [smem:$0x3FB8];
	_ =	sdelay $0x3  }
0x33: {  	p0 =	seq.s32 s10, $0x1;
	s10 =	sld [smem:$0x3FBA];
	_ =	sdelay $0x3  }
0x34: {  	[smem:$0x3FBA] =	sst s10  }
0x35: {  	s10 =	sld [smem:$0x3FB9];
	_ =	sdelay $0x3  }
0x36: {  	p1 =	seq.s32 s10, $0x1;
	s10 =	sld [smem:$0x3FBA];
	_ =	sdelay $0x3  }
0x37: {  	[smem:$0x3FBA] =	sst s10  }
0x38: {  	s10 =	sld [smem:$0x3FBB]  }
0x39: {  	_ = 	snop;
	(pc) =	sbr.ind lr, $3  }
0x3a: {  	_ = 	snop  }
0x3b: {  	_ = 	snop  }
0x3c: {  	p2 =	seq.s32 s10, $0x1;
	s10 =	sld [smem:$0x3FBA]  }
0x3d: {  	_ =	shalt  }
0x3e: {  	_ =	shalt  }
0x3f: {  	_ =	shalt  }
0x40: {  	_ =	shalt  }
0x41: {  	_ =	shalt  }
0x42: {  	_ =	shalt  }
0x43: {  	_ =	shalt  }
0x44: {  	_ =	shalt  }
0x45: {  	_ =	shalt  }
0x46: {  	_ =	shalt  }
0x47: {  	_ =	shalt  }
0x48: {  	_ =	shalt  }
0x49: {  	_ =	shalt  }
0x4a: {  	_ =	shalt  }
0x4b: {  	_ =	shalt  }
0x4c: {  	_ =	shalt  }
0x4d: {  	_ =	shalt  }
0x4e: {  	_ =	shalt  }
0x4f: {  	_ =	shalt  }
0x50: {  	_ =	shalt  }
0x51: {  	_ =	shalt  }
0x52: {  	_ =	shalt  }
0x53: {  	_ =	shalt  }
0x54: {  	_ =	shalt  }
0x55: {  	_ =	shalt  }
0x56: {  	_ =	shalt  }
0x57: {  	_ =	shalt  }
0x58: {  	_ =	shalt  }
0x59: {  	_ =	shalt  }
0x5a: {  	_ =	shalt  }
0x5b: {  	_ =	shalt  }
0x5c: {  	_ =	shalt  }
0x5d: {  	_ =	shalt  }
0x5e: {  	_ =	shalt  }
0x5f: {  	_ =	shalt  }
0x60: {  	_ =	shalt  }
0x61: {  	_ =	shalt  }
0x62: {  	_ =	shalt  }
0x63: {  	_ =	shalt  }
0x64: {  	_ =	shalt  }
0x65: {  	_ =	shalt  }
0x66: {  	_ =	shalt  }
0x67: {  	_ =	shalt  }
0x68: {  	_ =	shalt  }
0x69: {  	_ =	shalt  }
0x6a: {  	_ =	shalt  }
0x6b: {  	_ =	shalt  }
0x6c: {  	_ =	shalt  }
0x6d: {  	_ =	shalt  }
0x6e: {  	_ =	shalt  }
0x6f: {  	_ =	shalt  }
0x70: {  	_ =	shalt  }
0x71: {  	_ =	shalt  }
0x72: {  	_ =	shalt  }
0x73: {  	_ =	shalt  }
0x74: {  	_ =	shalt  }
0x75: {  	_ =	shalt  }
0x76: {  	_ =	shalt  }
0x77: {  	_ =	shalt  }
0x78: {  	_ =	shalt  }
0x79: {  	_ =	shalt  }
0x7a: {  	_ =	shalt  }
0x7b: {  	_ =	shalt  }
0x7c: {  	_ =	shalt  }
0x7d: {  	_ =	shalt  }
0x7e: {  	_ =	shalt  }
0x7f: {  	_ =	shalt  }
0x80: {  	_ =	shalt  }
0x81: {  	_ =	shalt  }
0x82: {  	_ =	shalt  }
0x83: {  	_ =	shalt  }
0x84: {  	_ =	shalt  }
0x85: {  	_ =	shalt  }
0x86: {  	_ =	shalt  }
0x87: {  	_ =	shalt  }
.Lfunc_end0:
.L_simem_size_0:
called_computation.1_lowered:
.L_overlay_start_0:
0x88: {  	s2 =	sld [smem:$0x3FD9]  }
0x89: {  	s3 =	sld [smem:$0x3FFE];
	_ =	sdelay $0x1  }
0x8a: {  	s1 =	srdreg.scid  }
0x8b: {  	s0 =	sand.u32 $0x1, s1  }
0x8c: {  	s17 =	sshll.u32 s0, $0xA;
	s2 =	sadd.s32 s3, s2  }
0x8d: {  	s2 =	sadd.s32 s2, s17  }
0x8e: {  	[smem:$0x3FC6] =	sst s2  }
0x8f: {  	_ = 	snop  }
0x90: {  	s2 =	sld [smem:$0x3FD0];
	(tm) =	ssettm $0x1  }
0x91: {  	s18 =	sld [smem:$0x3FFB];
	_ =	sdelay $0x3  }
0x92: {  	_ =	strace s18  }
0x93: {  	s3 =	sld [smem:$0x3FFC];
	_ =	sdelay $0x3  }
0x94: {  	_ =	strace s3  }
0x95: {  	s3 =	sld [smem:$0x3FFD];
	_ =	sdelay $0x3  }
0x96: {  	_ =	strace s3  }
0x97: {  	_ =	strace $0x8FFFFFFF  }
0x98: {  	s19 =	sld [smem:$0x3FDB];
	_ =	sdelay $0x1  }
0x99: {  	s4 =	simm.s32 $_scs_section_size  }
0x9a: {  	s5 =	simm.s32 $_size__tile_overlayer_lowered;
	s6 =	simm.s32 $_tile_overlayer_lowered  }
0x9b: {  	s22 =	simm.s32 $0x1BFF;
	s21 =	sshll.u32 s6, $0x1;
	s3 =	sadd.s32 s4, s19  }
0x9c: {  	s7 =	simm.s32 $0x0;
	s20 =	sshll.u32 s5, $0x1;
	s5 =	sadd.s32 s21, s3  }
0x9d: {  	[timem:s7], [sflag:s22] =	dma.local [hbm:s5], s20  }
0x9e: {  	_ =	swait.ge [sflag:s22], s20  }
0x9f: {  	s4 =	ssub.s32 $0x0, s20;
	[sflag:s22] =	ssyncset.done $0x0  }
0xa0: {  	[sflag:s22] =	ssyncadd.s32 s4;
	_ =	sdelay $0x1  }
0xa1: {  	s23 =	simm.s32 $0x1B8B  }
0xa2: {  	_ =	swait.ge [sflag:s23], $0x1  }
0xa3: {  	[sflag:s23] =	ssyncset.done $0x0  }
0xa4: {  	s25 =	simm.s32 $0x1B8E;
	s24 =	sld [smem:$0x3FFE];
	[sflag:s23] =	ssyncadd.s32 $0xFFFFFFFF  }
0xa5: {  	s26 =	simm.s32 $execute0_lowered;
	[smem:$0x3FD2] =	sst s25  }
0xa6: {  	s5 =	sshll.u32 s26, $0x1;
	_ =	strace $0x80000046;
	[dreg:$0x1] =	wrdreg $0xFFFFFFFF  }
0xa7: {  	s28 =	simm.s32 $_size_execute0_lowered;
	s3 =	sadd.s32 s3, s5;
	[dreg:$0x0] =	wrdreg $0x0  }
0xa8: {  	s5 =	sshll.u32 s28, $0x1;
	[dreg:$0x2] =	wrdreg s3  }
0xa9: {  	[dreg:$0x3] =	wrdreg s5  }
0xaa: {  	[dreg:$0x4] =	wrdreg $0xC0  }
0xab: {  	_ =	task [dreg:s7], $0x5FFFF  }
0xac: {  	[dreg:$0x1] =	wrdreg $0xFFFFFFFF  }
0xad: {  	[dreg:$0x0] =	wrdreg $0x60  }
0xae: {  	[dreg:$0x2] =	wrdreg s24  }
0xaf: {  	[dreg:$0x3] =	wrdreg s2  }
0xb0: {  	[dreg:$0x4] =	wrdreg $0x9  }
0xb1: {  	_ =	task.clear_ibuf [dreg:s7], $0x5FFFF;
	_ =	strace $0x90000046  }
0xb2: {  	s29 =	simm.s32 $0x9;
	_ =	strace $0x80000051  }
0xb3: {  	_ =	swait.ge [sflag:s29], $0x1  }
0xb4: {  	[sflag:s29] =	ssyncadd.s32 $0xFFFFFFFF  }
0xb5: {  	_ =	strace $0x90000051  }
0xb6: {  	_ =	sfence  }
0xb7: {  	s30 =	sld [smem:$0x0];
	_ =	sdelay $0x2  }
0xb8: {  	s31 =	sshll.u32 s1, $0xD;
	s1 =	sshrl.u32 s1, $0x2  }
0xb9: {  	s3 =	sand.u32 $0x4000, s31;
	s1 =	sadd.s32 s1, s30  }
0xba: {  	s0 =	sor.u32 s3, s0;
	s1 =	sshll.u32 s1, $0x11  }
0xbb: {  	s0 =	sor.u32 s1, s0  }
0xbc: {  	s0 =	sadd.s32 $0x8F2B, s0  }
0xbd: {  	[sflag:s0] =	ssyncadd.remote.s32 $0x1  }
0xbe: {  	_ =	sfence.sel $0xFFFF  }
0xbf: {  	[dreg:$0x0] =	wrdreg $0xFFFFFFFF;
	(pc) =	sbr.abs _section_cstart, $3  }
0xc0: {  	[dreg:$0x1] =	wrdreg $0xFFFFFFFF  }
0xc1: {  	_ =	task.clear_ibuf [dreg:s7], $0x2FFFF;
	_ =	strace $0x9FFFFFFF  }
0xc2: {  	(tm) =	ssettm $0x7FFFFFFF  }
0xc3: {  	_ =	shalt  }
tec
execute0_lowered:
.L_overlay_start_1:
0x0: {  	(tag) =	ssettag $0x1  }
0x1: {  	s0 =	rddreg [dreg:$0x0];
	s2 =	srdreg.scid  }
0x2: {  	s1 =	rddreg [dreg:$0x1];
	s3 =	simm.s32 $0x0;
	s2 =	sand.u32 $0x1, s2  }
0x3: {  	s5 =	stileid.u32;
	s16 =	simm.s32 $0x0;
	s4 =	sshll.u32 s2, $0x4  }
0x4: {  	[smem:$0x7FF] =	sst s3;
	s2 =	ssub.s32 $0x2, s2;
	s5 =	sor.u32 s5, s4  }
0x5: {  	_ =	strace $0x80000047;
	s8 =	sshrl.u32 s2, $0x1;
	s6 =	smul.u32 $0x18, s5  }
0x6: {  	s4 =	sadd.s32 $0xA00, s0;
	s7 =	smul.u32 $0x19, s5;
	s29 =	ssub.s32 s2, s8  }
0x7: {  	p0 =	slt.u32 s5, $0xD;
	s12 =	smax.u32 s29, $0x1;
	s5 =	sadd.s32 $0xD, s6  }
0x8: {  	s6 =	sadd.s32 $0xC38A00, s0;
	s5 =	smov.u32 @p0 s7;
	s7 =	simm.s32 $0x19  }
0x9: {  	s30 =	sshll.u32 s5, $0x7;
	s31 =	sshll.u32 s5, $0x4;
	s7 =	simm.s32 @!p0 $0x18  }
0xa: {  	s2 =	sand.u32 $0x1FFFFF80, s30;
	s10 =	sand.u32 $0x1FFFFFF0, s31;
	s8 =	sshll.u32 s7, $0x3  }
0xb: {  	s9 =	sadd.s32 s4, s2;
	s10 =	sadd.s32 s1, s10;
	s11 =	sadd.s32 $0xFFFFFFFF, s8  }
.LBB2_1:
0xc: {  	_ =	strace $0x80000048;
	s0 =	simm.s32 $0x400  }
0xd: {  	s2 =	simm.s32 $0xC3800;
	s31 =	simm.s32 $0x8000;
	s26 =	simm.s32 $0x0  }
0xe: {  	s17 =	simm.s32 $0x0;
	s18 =	simm.s32 $0x0;
	s19 =	simm.s32 $0x0  }
0xf: {  	[tilespmem:s3], [sflag:$0x1] =	stream.strided.gather [hbm4b:s9+s0], $0x4000, s2, s0, $0x200038;
	[tilespmem:$0x10100] =	vst v63  }
0x10: {  	s20 =	simm.s32 $0x1;
	s21 =	simm.s32 $0x0;
	s22 =	simm.s32 $0x1  }
0x11: {  	[tilespmem:s31], [sflag:$0x3] =	stream.linear.gather [hbm4b:s10+s3], $0x80, $0x200038;
	[tilespmem:$0x10100] =	vst v63  }
0x12: {  	s23 =	simm.s32 $0x0;
	s0 =	simm.s32 $0x0;
	_ =	strace $0x90000048  }
.LBB2_2:
0x13: {  	s24 =	sadd.s32 $0x1, s0  }
0x14: {  	s2 =	simm.s32 $0x1;
	p0 =	seq.s32 s24, s7  }
0x15: {  	s2 =	simm.s32 @!p0 $0x0  }
0x16: {  	s25 =	sadd.s32 s2, s26  }
0x17: {  	p1 =	seq.s32 s25, $0x8  }
0x18: {  	s24 =	simm.s32 @p0 $0x0;
	s25 =	simm.s32 @p1 $0x0  }
0x19: {  	p4 =	slt.u32 s23, s11;
	p0 =	sne.s32 s0, s24;
	p1 =	sne.s32 s26, s25  }
0x1a: {  	s14 =	simm.s32 $0x1;
	s31 =	smov.u32 s0;
	p1 =	por p0, p1  }
0x1b: {  	s2 =	sadd.s32 s5, s24;
	p2 =	por !p4, !p1;
	p4 =	por !p4, !p0  }
0x1c: {  	p3 =	por !p2, !p2;
	p2 =	seq.s32 s0, $0x0;
	p4 =	por !p4, !p4  }
0x1d: {  	s13 =	smul.u32 @p3 $0xC38000, s25;
	s15 =	sshll.u32 @p3 s2, $0xA;
	_ =	strace @p3 $0x80000049  }
0x1e: {  	s28 =	sand.u32 @p3 $0x1, s22;
	s29 =	simm.s32 @p3 $0x400;
	s30 =	simm.s32 @p3 $0xC3800  }
0x1f: {  	s31 =	smov.u32 @p2 s7;
	s2 =	sshll.u32 @p4 s2, $0x4;
	s13 =	sadd.s32 @p3 s15, s13  }
0x20: {  	s14 =	simm.s32 @!p2 $0x0;
	s2 =	sand.u32 @p4 $0x1FFFFFF0, s2;
	s13 =	sshrl.u32 @p3 s13, $0x3  }
0x21: {  	s15 =	sadd.s32 @p3 $0x1, s28;
	s28 =	sshll.u32 @p3 s28, $0xE;
	s13 =	sadd.s32 @p3 s4, s13  }
0x22: {  	[tilespmem:s28], [sflag:s15] =	stream.strided.gather @p3 [hbm4b:s13+s29], $0x4000, s30, s29, $0x200038;
	[tilespmem:$0x10100] =	vst v63  }
0x23: {  	s14 =	ssub.s32 s26, s14;
	s2 =	sadd.s32 @p4 s1, s2;
	s13 =	sand.u32 @p4 $0x1, s20  }
0x24: {  	_ =	strace @p3 $0x90000049;
	s15 =	sadd.s32 @p4 $0x3, s13;
	s13 =	sshll.u32 @p4 s13, $0x7  }
0x25: {  	s28 =	simm.s32 @p4 $0x0;
	_ =	strace @p4 $0x8000004A;
	s13 =	sor.u32 @p4 $0x8000, s13  }
0x26: {  	[tilespmem:s13], [sflag:s15] =	stream.linear.gather @p4 [hbm4b:s2+s28], $0x80, $0x200038;
	[tilespmem:$0x10100] =	vst v63  }
0x27: {  	p6 =	sne.s32 s26, $0x7;
	p5 =	seq.s32 s14, $0xFFFFFFFF;
	s13 =	sadd.s32 $0xFFFFFFFF, s31  }
0x28: {  	p6 =	por @!p5 p2, p2;
	p2 =	sne.s32 s0, s13  }
0x29: {  	p5 =	seq.s32 s23, $0x0;
	p2 =	por p2, p6  }
0x2a: {  	s2 =	sand.u32 $0x1, s21;
	_ =	strace @p4 $0x9000004A;
	p6 =	por p5, p2  }
0x2b: {  	_ =	strace @p6 $0x8000004B;
	s14 =	sadd.s32 @p6 $0x1, s2  }
0x2c: {  	_ =	swait.ge @p6 [sflag:s14], $0x4000  }
0x2d: {  	[sflag:s14] =	ssyncset.done @p6 $0x0  }
0x2e: {  	s30 =	sadd.s32 s5, s0;
	[sflag:s14] =	ssyncadd.s32 @p6 $0xFFFFC000  }
0x2f: {  	s28 =	sand.u32 $0x1, s18;
	_ =	strace @p6 $0x9000004B;
	p6 =	seq.s32 @!p5 s0, s13  }
0x30: {  	s15 =	sshll.u32 s28, $0xE;
	s31 =	sshll.u32 s2, $0xE;
	p5 =	por p5, !p6  }
0x31: {  	s29 =	sor.u32 $0x8100, s15;
	s15 =	sor.u32 $0x8500, s15;
	s13 =	sand.u32 @p5 $0x1, s19  }
0x32: {  	s14 =	simm.s32 $0x1;
	_ =	strace @p5 $0x8000004C;
	s13 =	sadd.s32 @p5 $0x3, s13  }
0x33: {  	s2 =	simm.s32 $0x0;
	s14 =	simm.s32 @!p4 $0x0;
	_ =	swait.ge @p5 [sflag:s13], $0x80  }
0x34: {  	s20 =	sadd.s32 s14, s20;
	s14 =	sshll.u32 s19, $0x7;
	[sflag:s13] =	ssyncset.done @p5 $0x0  }
0x35: {  	s0 =	sand.u32 $0x80, s14;
	[sflag:s13] =	ssyncadd.s32 @p5 $0xFFFFFF80;
	s13 =	simm.s32 $0x1  }
0x36: {  	s14 =	sor.u32 $0x8000, s0;
	_ =	strace @p5 $0x9000004C;
	s13 =	simm.s32 @!p3 $0x0  }
0x37: {  	s0 =	sor.u32 $0x400, s31;
	v0 =	vmov s14;
	s22 =	sadd.s32 s13, s22;
	_ =	strace $0x8000004D  }
.LBB2_3:
0x38: {  	_ =	sdelay $0x2  }
0x39: {  	s13 =	sshll.u32 s2, $0x4;
	v2 =	vld [tilespmem:s0+$0xFFFFFC00]  }
0x3a: {  	v1 =	vld.idx.msk [tilespmem:v0+s13+$0x0 ss:$0x1], $0xffff;
	_ =	sdelay $0x4  }
0x3b: {  	v2 =	vadd.f32 v2, v1;
	_ =	sdelay $0x1  }
0x3c: {  	[tilespmem:s15+$0xFFFFFC00] =	vst v2  }
0x3d: {  	v2 =	vld [tilespmem:s0+$0xFFFFFC80];
	_ =	sdelay $0x4  }
0x3e: {  	v2 =	vadd.f32 v2, v1;
	_ =	sdelay $0x1  }
0x3f: {  	[tilespmem:s15+$0xFFFFFC80] =	vst v2  }
0x40: {  	v2 =	vld [tilespmem:s0+$0xFFFFFD00];
	_ =	sdelay $0x4  }
0x41: {  	v2 =	vadd.f32 v2, v1;
	_ =	sdelay $0x1  }
0x42: {  	[tilespmem:s15+$0xFFFFFD00] =	vst v2  }
0x43: {  	v2 =	vld [tilespmem:s0+$0xFFFFFD80];
	_ =	sdelay $0x4  }
0x44: {  	v2 =	vadd.f32 v2, v1;
	_ =	sdelay $0x1  }
0x45: {  	[tilespmem:s15+$0xFFFFFD80] =	vst v2  }
0x46: {  	v2 =	vld [tilespmem:s0+$0xFFFFFE00];
	_ =	sdelay $0x4  }
0x47: {  	v2 =	vadd.f32 v2, v1;
	_ =	sdelay $0x1  }
0x48: {  	[tilespmem:s15+$0xFFFFFE00] =	vst v2  }
0x49: {  	v2 =	vld [tilespmem:s0+$0xFFFFFE80];
	_ =	sdelay $0x4  }
0x4a: {  	v2 =	vadd.f32 v2, v1;
	_ =	sdelay $0x1  }
0x4b: {  	[tilespmem:s15+$0xFFFFFE80] =	vst v2  }
0x4c: {  	v2 =	vld [tilespmem:s0+$0xFFFFFF00];
	_ =	sdelay $0x4  }
0x4d: {  	v2 =	vadd.f32 v2, v1;
	_ =	sdelay $0x1  }
0x4e: {  	[tilespmem:s15+$0xFFFFFF00] =	vst v2  }
0x4f: {  	v2 =	vld [tilespmem:s0+$0xFFFFFF80];
	_ =	sdelay $0x4  }
0x50: {  	v2 =	vadd.f32 v2, v1;
	_ =	sdelay $0x1  }
0x51: {  	[tilespmem:s15+$0xFFFFFF80] =	vst v2  }
0x52: {  	v2 =	vld [tilespmem:s0+$0x0];
	_ =	sdelay $0x4  }
0x53: {  	v2 =	vadd.f32 v2, v1;
	_ =	sdelay $0x1  }
0x54: {  	[tilespmem:s15+$0x0] =	vst v2  }
0x55: {  	v2 =	vld [tilespmem:s0+$0x80];
	_ =	sdelay $0x4  }
0x56: {  	v2 =	vadd.f32 v2, v1;
	_ =	sdelay $0x1  }
0x57: {  	[tilespmem:s15+$0x80] =	vst v2  }
0x58: {  	v2 =	vld [tilespmem:s0+$0x100];
	_ =	sdelay $0x4  }
0x59: {  	v2 =	vadd.f32 v2, v1;
	_ =	sdelay $0x1  }
0x5a: {  	[tilespmem:s15+$0x100] =	vst v2  }
0x5b: {  	v2 =	vld [tilespmem:s0+$0x180];
	_ =	sdelay $0x4  }
0x5c: {  	v2 =	vadd.f32 v2, v1;
	_ =	sdelay $0x1  }
0x5d: {  	[tilespmem:s15+$0x180] =	vst v2  }
0x5e: {  	v2 =	vld [tilespmem:s0+$0x200];
	_ =	sdelay $0x4  }
0x5f: {  	v2 =	vadd.f32 v2, v1;
	_ =	sdelay $0x1  }
0x60: {  	[tilespmem:s15+$0x200] =	vst v2  }
0x61: {  	v2 =	vld [tilespmem:s0+$0x280];
	_ =	sdelay $0x4  }
0x62: {  	v2 =	vadd.f32 v2, v1;
	_ =	sdelay $0x1  }
0x63: {  	[tilespmem:s15+$0x280] =	vst v2  }
0x64: {  	v2 =	vld [tilespmem:s0+$0x300];
	_ =	sdelay $0x4  }
0x65: {  	v2 =	vadd.f32 v2, v1;
	_ =	sdelay $0x1  }
0x66: {  	[tilespmem:s15+$0x300] =	vst v2  }
0x67: {  	v2 =	vld [tilespmem:s0+$0x380];
	_ =	sdelay $0x4  }
0x68: {  	v2 =	vadd.f32 v2, v1;
	_ =	sdelay $0x1  }
0x69: {  	s14 =	sadd.s32 $0x800, s0;
	s31 =	smov.u32 s15;
	s13 =	simm.s32 $0x0;
	[tilespmem:s15+$0x380] =	vst v2  }
.LBB2_4:
0x6a: {  	v2 =	vld [tilespmem:s14+$0xFFFFFC00];
	s13 =	sadd.s32 $0x10, s13  }
0x6b: {  	p3 =	slt.u32 s13, $0x70;
	_ =	sdelay $0x3  }
0x6c: {  	v2 =	vadd.f32 v2, v1  }
0x6d: {  	s31 =	sadd.s32 $0x800, s31  }
0x6e: {  	[tilespmem:s31+$0xFFFFFC00] =	vst v2  }
0x6f: {  	v2 =	vld [tilespmem:s14+$0xFFFFFC80];
	_ =	sdelay $0x4  }
0x70: {  	v2 =	vadd.f32 v2, v1;
	_ =	sdelay $0x1  }
0x71: {  	[tilespmem:s31+$0xFFFFFC80] =	vst v2  }
0x72: {  	v2 =	vld [tilespmem:s14+$0xFFFFFD00];
	_ =	sdelay $0x4  }
0x73: {  	v2 =	vadd.f32 v2, v1;
	_ =	sdelay $0x1  }
0x74: {  	[tilespmem:s31+$0xFFFFFD00] =	vst v2  }
0x75: {  	v2 =	vld [tilespmem:s14+$0xFFFFFD80];
	_ =	sdelay $0x4  }
0x76: {  	v2 =	vadd.f32 v2, v1;
	_ =	sdelay $0x1  }
0x77: {  	[tilespmem:s31+$0xFFFFFD80] =	vst v2  }
0x78: {  	v2 =	vld [tilespmem:s14+$0xFFFFFE00];
	_ =	sdelay $0x4  }
0x79: {  	v2 =	vadd.f32 v2, v1;
	_ =	sdelay $0x1  }
0x7a: {  	[tilespmem:s31+$0xFFFFFE00] =	vst v2  }
0x7b: {  	v2 =	vld [tilespmem:s14+$0xFFFFFE80];
	_ =	sdelay $0x4  }
0x7c: {  	v2 =	vadd.f32 v2, v1;
	_ =	sdelay $0x1  }
0x7d: {  	[tilespmem:s31+$0xFFFFFE80] =	vst v2  }
0x7e: {  	v2 =	vld [tilespmem:s14+$0xFFFFFF00];
	_ =	sdelay $0x4  }
0x7f: {  	v2 =	vadd.f32 v2, v1;
	_ =	sdelay $0x1  }
0x80: {  	[tilespmem:s31+$0xFFFFFF00] =	vst v2  }
0x81: {  	v2 =	vld [tilespmem:s14+$0xFFFFFF80];
	_ =	sdelay $0x4  }
0x82: {  	v2 =	vadd.f32 v2, v1;
	_ =	sdelay $0x1  }
0x83: {  	[tilespmem:s31+$0xFFFFFF80] =	vst v2  }
0x84: {  	v2 =	vld [tilespmem:s14+$0x0];
	_ =	sdelay $0x4  }
0x85: {  	v2 =	vadd.f32 v2, v1;
	_ =	sdelay $0x1  }
0x86: {  	[tilespmem:s31+$0x0] =	vst v2  }
0x87: {  	v2 =	vld [tilespmem:s14+$0x80];
	_ =	sdelay $0x4  }
0x88: {  	v2 =	vadd.f32 v2, v1;
	_ =	sdelay $0x1  }
0x89: {  	[tilespmem:s31+$0x80] =	vst v2  }
0x8a: {  	v2 =	vld [tilespmem:s14+$0x100];
	_ =	sdelay $0x4  }
0x8b: {  	v2 =	vadd.f32 v2, v1;
	_ =	sdelay $0x1  }
0x8c: {  	[tilespmem:s31+$0x100] =	vst v2  }
0x8d: {  	v2 =	vld [tilespmem:s14+$0x180];
	_ =	sdelay $0x4  }
0x8e: {  	v2 =	vadd.f32 v2, v1;
	_ =	sdelay $0x1  }
0x8f: {  	[tilespmem:s31+$0x180] =	vst v2  }
0x90: {  	v2 =	vld [tilespmem:s14+$0x200];
	_ =	sdelay $0x4  }
0x91: {  	v2 =	vadd.f32 v2, v1;
	_ =	sdelay $0x1  }
0x92: {  	[tilespmem:s31+$0x200] =	vst v2  }
0x93: {  	v2 =	vld [tilespmem:s14+$0x280];
	_ =	sdelay $0x4  }
0x94: {  	v2 =	vadd.f32 v2, v1;
	_ =	sdelay $0x1  }
0x95: {  	[tilespmem:s31+$0x280] =	vst v2  }
0x96: {  	v2 =	vld [tilespmem:s14+$0x300];
	_ =	sdelay $0x4  }
0x97: {  	v2 =	vadd.f32 v2, v1;
	_ =	sdelay $0x1  }
0x98: {  	[tilespmem:s31+$0x300] =	vst v2  }
0x99: {  	v2 =	vld [tilespmem:s14+$0x380];
	_ =	sdelay $0x2  }
.Ltmp0:
0x9a: {  	(pc) =	sbr.rel @p3 .LBB2_4-.Ltmp0, $3  }
0x9b: {  	_ = 	snop  }
0x9c: {  	v2 =	vadd.f32 v2, v1;
	_ =	sdelay $0x1  }
0x9d: {  	s14 =	sadd.s32 $0x800, s14;
	[tilespmem:s31+$0x380] =	vst v2  }
0x9e: {  	s2 =	sadd.s32 $0x1, s2  }
0x9f: {  	p3 =	sne.s32 s2, $0x8  }
.Ltmp1:
0xa0: {  	_ = 	snop;
	(pc) =	sbr.rel @p3 .LBB2_3-.Ltmp1, $2  }
0xa1: {  	_ =	sdelay $0x2  }
0xa2: {  	s15 =	sadd.s32 $0x10, s15;
	s0 =	sadd.s32 $0x10, s0  }
0xa3: {  	p3 =	seq.s32 s23, s11  }
0xa4: {  	p1 =	por p3, p1  }
0xa5: {  	s0 =	smul.u32 @p1 $0xC38000, s26  }
0xa6: {  	p4 =	sne.s32 s23, $0x0;
	_ =	strace $0x9000004D;
	s2 =	sshll.u32 @p1 s30, $0xA  }
0xa7: {  	p2 =	por !p4, !p2;
	_ =	strace @p1 $0x8000004E;
	s0 =	sadd.s32 @p1 s2, s0  }
0xa8: {  	s13 =	simm.s32 @p1 $0x400;
	s14 =	simm.s32 @p1 $0xC3800;
	s0 =	sshrl.u32 @p1 s0, $0x3  }
0xa9: {  	p2 =	por !p2, !p2;
	s2 =	sadd.s32 @p1 $0x5, s28;
	s0 =	sadd.s32 @p1 s6, s0  }
0xaa: {  	[hbm4b:s0+s13] =	stream.strided.scatter @p1 [tilespmem:s29], [sflag:s2], $0x4000, s14, s13, $0x200038;
	[tilespmem:$0x10100] =	vst v63  }
0xab: {  	s23 =	sadd.s32 $0x1, s23;
	p0 =	por p3, p0;
	s0 =	sand.u32 @p2 $0x1, s17  }
0xac: {  	s13 =	simm.s32 $0x1;
	_ =	strace @p1 $0x9000004E;
	s0 =	sadd.s32 @p2 $0x5, s0  }
0xad: {  	s13 =	simm.s32 @!p0 $0x0;
	p0 =	sne.s32 s23, s8;
	_ =	strace @p2 $0x8000004F  }
.Ltmp2:
0xae: {  	s2 =	simm.s32 $0x1;
	_ =	swait.ge @p2 [sflag:s0], $0x4000;
	(pc) =	sbr.rel @p0 .LBB2_2-.Ltmp2, $4  }
0xaf: {  	s26 =	smov.u32 s25;
	s2 =	simm.s32 @!p1 $0x0;
	[sflag:s0] =	ssyncset.done @p2 $0x0  }
0xb0: {  	s18 =	sadd.s32 s2, s18;
	[sflag:s0] =	ssyncadd.s32 @p2 $0xFFFFC000;
	s0 =	simm.s32 $0x1  }
0xb1: {  	s21 =	sadd.s32 s2, s21;
	s19 =	sadd.s32 s13, s19;
	s0 =	simm.s32 @!p2 $0x0  }
0xb2: {  	_ =	strace @p2 $0x9000004F;
	s17 =	sadd.s32 s0, s17;
	s0 =	smov.u32 s24  }
0xb3: {  	s16 =	sadd.s32 $0x1, s16  }
0xb4: {  	s0 =	sand.u32 $0x1, s17;
	p0 =	sne.s32 s16, s12  }
.Ltmp3:
0xb5: {  	_ =	strace $0x80000050;
	s0 =	sadd.s32 $0x5, s0;
	(pc) =	sbr.rel @p0 .LBB2_1-.Ltmp3, $4  }
0xb6: {  	_ =	swait.ge [sflag:s0], $0x4000  }
0xb7: {  	[sflag:s0] =	ssyncset.done $0x0  }
0xb8: {  	[sflag:s0] =	ssyncadd.s32 $0xFFFFC000  }
0xb9: {  	_ =	strace $0x90000050  }
0xba: {  	_ =	sfence.sel $0x180000  }
0xbb: {  	[bflag:$0x0] =	sbarrier.arrive $0xFFFF  }
0xbc: {  	_ =	strace $0x90000047  }
0xbd: {  	s0 =	stileid.u32;
	[bflag:$0x2] =	sbarrier.arrive $0xFFFF  }
0xbe: {  	p0 =	sne.s32 s0, $0x0;
	s0 =	rddreg [dreg:$0x2]  }
0xbf: {  	s0 =	sadd.s32 @!p0 $0x100000, s0  }
0xc0: {  	[sflag:s0] =	ssyncadd.tile.s32 @!p0 $0x1;
	_ =	shalt  }
.Lfunc_end2:
_tile_overlayer_lowered:
.L_overlay_start_2:
0xc1: {  	(tag) =	ssettag $0x2  }
0xc2: {  	s0 =	rddreg [dreg:$0x0];
	s2 =	stileid.u32  }
0xc3: {  	s1 =	rddreg [dreg:$0x1];
	p0 =	sne.s32 s2, $0x0  }
0xc4: {  	s3 =	rddreg [dreg:$0x2];
	[bflag:$0x3] =	sbarrier.arrive $0xFFFF;
	s2 =	simm.s32 @!p0 $0x1C01  }
0xc5: {  	[timem:s3], [sflag:s2] =	dma.local @!p0 [hbm:s0], s1  }
0xc6: {  	s0 =	simm.s32 @!p0 $0x1  }
0xc7: {  	_ =	swait.ge @!p0 [sflag:s0], s1  }
0xc8: {  	s1 =	ssub.s32 @!p0 $0x0, s1;
	[sflag:s0] =	ssyncset.done @!p0 $0x0  }
0xc9: {  	[sflag:s0] =	ssyncadd.s32 @!p0 s1  }
0xca: {  	[bflag:$0x3] =	sbarrier.arrive $0xFFFF  }
0xcb: {  	_ =	shalt  }

// kernel: sparse-core-data-format-call.cloned.1.call-start
scs
called_computation_lowered:
.L_overlay_start_0:
0x0: {  	s2 =	sld [smem:$0x3FD9]  }
0x1: {  	s3 =	sld [smem:$0x3FFE];
	_ =	sdelay $0x1  }
0x2: {  	s1 =	srdreg.scid  }
0x3: {  	s0 =	sand.u32 $0x1, s1  }
0x4: {  	s18 =	sshll.u32 s0, $0xA;
	s2 =	sadd.s32 s3, s2  }
0x5: {  	s2 =	sadd.s32 s2, s18  }
0x6: {  	[smem:$0x3FC6] =	sst s2  }
0x7: {  	_ = 	snop  }
0x8: {  	s2 =	sld [smem:$0x3FD0];
	(tm) =	ssettm $0x1  }
0x9: {  	s19 =	sld [smem:$0x3FFB];
	_ =	sdelay $0x3  }
0xa: {  	_ =	strace s19  }
0xb: {  	s3 =	sld [smem:$0x3FFC];
	_ =	sdelay $0x3  }
0xc: {  	_ =	strace s3  }
0xd: {  	s3 =	sld [smem:$0x3FFD];
	_ =	sdelay $0x3  }
0xe: {  	_ =	strace s3  }
0xf: {  	_ =	strace $0x8FFFFFFF  }
0x10: {  	s20 =	sld [smem:$0x3FDB];
	_ =	sdelay $0x1  }
0x11: {  	s4 =	simm.s32 $_scs_section_size  }
0x12: {  	s5 =	simm.s32 $_size__tile_overlayer_lowered;
	s6 =	simm.s32 $_tile_overlayer_lowered  }
0x13: {  	s23 =	simm.s32 $0x1BFF;
	s22 =	sshll.u32 s6, $0x1;
	s3 =	sadd.s32 s4, s20  }
0x14: {  	s7 =	simm.s32 $0x0;
	s21 =	sshll.u32 s5, $0x1;
	s5 =	sadd.s32 s22, s3  }
0x15: {  	[timem:s7], [sflag:s23] =	dma.local [hbm:s5], s21  }
0x16: {  	_ =	swait.ge [sflag:s23], s21  }
0x17: {  	s4 =	ssub.s32 $0x0, s21;
	[sflag:s23] =	ssyncset.done $0x0  }
0x18: {  	[sflag:s23] =	ssyncadd.s32 s4;
	_ =	sdelay $0x1  }
0x19: {  	s24 =	simm.s32 $0x1B8B  }
0x1a: {  	_ =	swait.ge [sflag:s24], $0x1  }
0x1b: {  	[sflag:s24] =	ssyncset.done $0x0  }
0x1c: {  	s26 =	simm.s32 $0x1B8E;
	s25 =	sld [smem:$0x3FFE];
	[sflag:s24] =	ssyncadd.s32 $0xFFFFFFFF  }
0x1d: {  	s27 =	simm.s32 $execute0_lowered;
	[smem:$0x3FD2] =	sst s26  }
0x1e: {  	s5 =	sshll.u32 s27, $0x1;
	_ =	strace $0x80000052;
	[dreg:$0x1] =	wrdreg $0xFFFFFFFF  }
0x1f: {  	s28 =	simm.s32 $_size_execute0_lowered;
	s3 =	sadd.s32 s3, s5;
	[dreg:$0x0] =	wrdreg $0x0  }
0x20: {  	s5 =	sshll.u32 s28, $0x1;
	[dreg:$0x2] =	wrdreg s3  }
0x21: {  	[dreg:$0x3] =	wrdreg s5  }
0x22: {  	[dreg:$0x4] =	wrdreg $0xC0  }
0x23: {  	_ =	task [dreg:s7], $0x5FFFF  }
0x24: {  	[dreg:$0x1] =	wrdreg $0xFFFFFFFF  }
0x25: {  	[dreg:$0x0] =	wrdreg $0x60  }
0x26: {  	[dreg:$0x2] =	wrdreg s25  }
0x27: {  	[dreg:$0x3] =	wrdreg s2  }
0x28: {  	[dreg:$0x4] =	wrdreg $0x9  }
0x29: {  	_ =	task.clear_ibuf [dreg:s7], $0x5FFFF;
	_ =	strace $0x90000052  }
0x2a: {  	s29 =	simm.s32 $0x9;
	_ =	strace $0x80000054  }
0x2b: {  	_ =	swait.ge [sflag:s29], $0x1  }
0x2c: {  	[sflag:s29] =	ssyncadd.s32 $0xFFFFFFFF  }
0x2d: {  	_ =	strace $0x90000054  }
0x2e: {  	_ =	sfence  }
0x2f: {  	s30 =	sld [smem:$0x0];
	_ =	sdelay $0x2  }
0x30: {  	s31 =	sshll.u32 s1, $0xD;
	s1 =	sshrl.u32 s1, $0x2  }
0x31: {  	s3 =	sand.u32 $0x4000, s31;
	s1 =	sadd.s32 s1, s30  }
0x32: {  	s0 =	sor.u32 s3, s0;
	s1 =	sshll.u32 s1, $0x11  }
0x33: {  	s0 =	sor.u32 s1, s0  }
0x34: {  	s0 =	sadd.s32 $0x8F2B, s0  }
0x35: {  	[sflag:s0] =	ssyncadd.remote.s32 $0x1  }
0x36: {  	_ =	sfence.sel $0xFFFF  }
0x37: {  	[dreg:$0x0] =	wrdreg $0xFFFFFFFF;
	(pc) =	sbr.abs _section_cstart, $3  }
0x38: {  	[dreg:$0x1] =	wrdreg $0xFFFFFFFF  }
0x39: {  	_ =	task.clear_ibuf [dreg:s7], $0x2FFFF;
	_ =	strace $0x9FFFFFFF  }
0x3a: {  	(tm) =	ssettm $0x7FFFFFFF  }
0x3b: {  	_ =	shalt  }
tec
execute0_lowered:
.L_overlay_start_1:
0x0: {  	(tag) =	ssettag $0x1  }
0x1: {  	s0 =	stileid.u32  }
0x2: {  	s2 =	srdreg.scid;
	s7 =	rddreg [dreg:$0x0]  }
0x3: {  	s6 =	simm.s32 $0x1;
	s31 =	simm.s32 $0x2;
	s16 =	simm.s32 $0x0  }
0x4: {  	s9 =	simm.s32 $0x2000;
	s15 =	simm.s32 $0x0;
	s10 =	simm.s32 $0x0  }
0x5: {  	s11 =	simm.s32 $0x0;
	s14 =	simm.s32 $0x0;
	s1 =	sshll.u32 s0, $0x7  }
0x6: {  	s3 =	sshll.u32 s0, $0x4;
	s2 =	sshll.u32 s2, $0x8;
	s1 =	sand.u32 $0x380, s1  }
0x7: {  	s7 =	sadd.s32 $0xC38A00, s7;
	s2 =	sor.u32 s3, s2;
	s5 =	ssub.s32 $0x400, s1  }
0x8: {  	s3 =	rddreg [dreg:$0x1];
	s4 =	sand.u32 $0x180, s2;
	s29 =	sand.u32 $0x380, s5  }
0x9: {  	s30 =	ssub.s32 $0x18680, s4;
	s5 =	sshrl.u32 s5, $0xA;
	p0 =	sne.s32 s29, $0x0  }
.Ltmp0:
0xa: {  	s8 =	sshrl.u32 s30, $0x9;
	s6 =	simm.s32 @!p0 $0x0;
	(pc) =	sbr.rel .LBB1_1-.Ltmp0, $4  }
0xb: {  	s2 =	rddreg [dreg:$0x2];
	s8 =	sadd.s32 $0x1, s8;
	s6 =	sadd.s32 s6, s5  }
0xc: {  	_ =	strace $0x80000053;
	s5 =	simm.s32 $0x1;
	s6 =	smul.u32 s6, s8  }
0xd: {  	s13 =	smov.u32 s1;
	s12 =	smov.u32 s4;
	[sflag:s5] =	ssyncpa.u1 $0x0  }
0xe: {  	p0 =	por $0x0, $0x0;
	[sflag:s31] =	ssyncpa.u1 $0x0;
	s8 =	sadd.s32 $0x1, s6  }
.LBB1_4:
0xf: {  	s21 =	sshra.s32 s21, $0x2;
	s27 =	sshll.u32 s10, $0xA;
	s22 =	sshll.u32 s11, $0x3  }
0x10: {  	s23 =	sshll.u32 s10, $0x7;
	s24 =	sand.u32 $0x78, s11;
	p1 =	sgt.s32 s10, $0x18620  }
0x11: {  	s25 =	sshra.s32 s10, $0x1F;
	s26 =	sshra.s32 s11, $0x1F;
	s20 =	sadd.s32 s21, s20  }
0x12: {  	v5 =	vld [tilespmem:s18+$0xFFFFFFD0];
	[tilespmem:s19+$0x2040 ss:$0x81] =	vst.msk $0xffff, v4;
	s21 =	sand.u32 $0xFFFFE000, s27;
	s22 =	sand.u32 $0xFFFFFC00, s22;
	s28 =	sand.u32 $0x380, s23  }
0x13: {  	v58 =	vld [tilespmem:s18+$0xFFFFFFE0];
	[tilespmem:s19+$0x2850 ss:$0x81] =	vst.msk $0xffff, v3;
	s23 =	smov.u32 s10;
	s30 =	sand.u32 s25, s10;
	s25 =	smov.u32 s11  }
0x14: {  	v59 =	vld [tilespmem:s18+$0xFFFFFFF0];
	[tilespmem:s19+$0x3060 ss:$0x81] =	vst.msk $0xffff, v2;
	s31 =	sand.u32 s26, s11;
	s21 =	sadd.s32 s22, s21;
	s22 =	sor.u32 s24, s28  }
0x15: {  	v60 =	vld [tilespmem:s18+$0x0];
	[tilespmem:s19+$0x0 ss:$0x81] =	vst.msk $0xffff, v1;
	s23 =	simm.s32 @!p1 $0x18620;
	p1 =	sgt.s32 s11, $0x380;
	s21 =	sshrl.u32 s21, $0xA  }
0x16: {  	v61 =	vld [tilespmem:s18+$0x10];
	[tilespmem:s20+$0x3870 ss:$0x81] =	vst.msk $0xffff, v0;
	s19 =	ssub.s32 s23, s30;
	s25 =	simm.s32 @!p1 $0x380;
	s29 =	smulhi.u32 $0x53E2D7, s21  }
0x17: {  	v62 =	vld [tilespmem:s18+$0x20];
	s23 =	ssub.s32 s25, s31;
	s26 =	sadd.s32 $0xFFFE79E0, s19;
	s19 =	ssub.s32 $0x186A0, s19;
	[tilespmem:s20+$0x810 ss:$0x81] =	vst.msk $0xffff, v5  }
0x18: {  	v63 =	vld [tilespmem:s18+$0xFFFFFFC0];
	[tilespmem:s20+$0x1020 ss:$0x81] =	vst.msk $0xffff, v58;
	p1 =	sgt.s32 s26, $0x7F;
	s28 =	sadd.s32 $0xFFFFFC80, s23;
	s24 =	sshrl.u32 s29, $0x7  }
0x19: {  	[tilespmem:s20+$0x1830 ss:$0x81] =	vst.msk $0xffff, v59;
	s23 =	ssub.s32 $0x400, s23;
	p2 =	sgt.s32 s28, $0x7F;
	s27 =	smul.u32 $0x186A0, s24  }
0x1a: {  	s30 =	sand.u32 $0x7, s11;
	[tilespmem:s20+$0x2040 ss:$0x81] =	vst.msk $0xffff, v60;
	s19 =	simm.s32 @p1 $0x0;
	s23 =	simm.s32 @p2 $0x0  }
0x1b: {  	[tilespmem:s20+$0x2850 ss:$0x81] =	vst.msk $0xffff, v61;
	s29 =	sshrl.u32 s22, $0x3;
	s19 =	smul.u32 s23, s19;
	s18 =	ssub.s32 s21, s27  }
0x1c: {  	[tilespmem:s20+$0x3060 ss:$0x81] =	vst.msk $0xffff, v62;
	s22 =	sshll.u32 s30, $0x12;
	s21 =	sadd.s32 s3, s29;
	s18 =	sshll.u32 s18, $0x7  }
0x1d: {  	[tilespmem:s20+$0x0 ss:$0x81] =	vst.msk $0xffff, v63;
	s31 =	sor.u32 $0x400, s22;
	s19 =	sand.u32 $0x3FFFFFFF, s19;
	s18 =	sadd.s32 s18, s21  }
0x1e: {  	[hbm4b:s18+s31] =	stream.strided.scatter [tilespmem:s17], [sflag:$0x2], s19, s9, s31, $0x20;
	[tilespmem:$0x10100] =	vst v63  }
.LBB1_5:
0x1f: {  	p1 =	slt.u32 s14, $0x2  }
0x20: {  	s18 =	smov.u32 s16;
	p2 =	sgt.s32 @!p1 s16, $0x18620;
	s17 =	sshra.s32 @!p1 s16, $0x1F  }
0x21: {  	p3 =	sgt.s32 @!p1 s15, $0x380;
	s19 =	sshra.s32 @!p1 s15, $0x1F;
	p2 =	por !p2, p1  }
0x22: {  	s16 =	sand.u32 @!p1 s17, s16;
	p3 =	por !p3, p1;
	s17 =	smov.u32 s15  }
0x23: {  	s15 =	sand.u32 @!p1 s19, s15;
	s18 =	simm.s32 @p2 $0x18620;
	s17 =	simm.s32 @p3 $0x380  }
0x24: {  	s16 =	ssub.s32 @!p1 s18, s16;
	s15 =	ssub.s32 @!p1 s17, s15  }
0x25: {  	s19 =	smov.u32 s13;
	s17 =	sadd.s32 @!p1 $0xFFFE79E0, s16;
	s18 =	sadd.s32 @!p1 $0xFFFFFC80, s15  }
0x26: {  	s16 =	ssub.s32 @!p1 $0x186A0, s16;
	p2 =	sgt.s32 @!p1 s17, $0x7F;
	p3 =	sgt.s32 @!p1 s18, $0x7F  }
0x27: {  	s15 =	ssub.s32 @!p1 $0x400, s15;
	p2 =	por !p2, p1;
	p3 =	por !p3, p1  }
0x28: {  	s17 =	sadd.s32 $0x200, s12;
	s16 =	simm.s32 @!p2 $0x0;
	s15 =	simm.s32 @!p3 $0x0  }
0x29: {  	p2 =	sgt.s32 s17, $0x1869F;
	s15 =	smul.u32 @!p1 s15, s16;
	s16 =	sadd.s32 $0x400, s13  }
0x2a: {  	s19 =	smov.u32 @p2 s16  }
0x2b: {  	s17 =	smov.u32 @p2 s4;
	p2 =	sgt.s32 s19, $0x3FF  }
0x2c: {  	s19 =	smov.u32 @p2 s1;
	p2 =	sne.s32 s14, s8  }
.Ltmp1:
0x2d: {  	p0 =	por !p0, !p0;
	s18 =	simm.s32 @!p1 $0x2;
	(pc) =	sbr.rel @!p2 .LBB1_6-.Ltmp1, $4  }
0x2e: {  	s16 =	smov.u32 s10;
	s10 =	smov.u32 s12;
	s15 =	sand.u32 @!p1 $0x3FFFFFFF, s15  }
0x2f: {  	s12 =	smov.u32 s17;
	_ =	swait.ge @!p1 [sflag:s18], s15;
	s20 =	ssub.s32 @!p1 $0x0, s15  }
0x30: {  	s15 =	smov.u32 s11;
	s14 =	sadd.s32 $0x1, s14;
	[sflag:s18] =	ssyncset.done @!p1 $0x0  }
0x31: {  	s11 =	smov.u32 s13;
	s13 =	smov.u32 s19;
	[sflag:s18] =	ssyncadd.s32 @!p1 s20  }
.LBB1_1:
0x32: {  	p1 =	sge.u32 s14, s6  }
0x33: {  	s17 =	sshrl.u32 @!p1 s13, $0x3  }
0x34: {  	s18 =	sshll.u32 @!p1 s12, $0x3;
	s17 =	smul.u32 @!p1 $0xC3800, s17  }
0x35: {  	s19 =	sshll.u32 @!p1 s13, $0x7;
	s18 =	sand.u32 @!p1 $0xFFFFFC00, s18  }
0x36: {  	s17 =	sadd.s32 @!p1 s17, s18;
	s18 =	sand.u32 @!p1 $0x380, s19  }
0x37: {  	s19 =	sand.u32 @!p1 $0x7F, s12;
	s17 =	sor.u32 @!p1 s18, s17  }
0x38: {  	s18 =	sor.u32 @!p1 s19, s17  }
0x39: {  	s19 =	smulhi.u32 @!p1 $0xA79C7B17, s18;
	_ =	sdelay $0x1  }
0x3a: {  	s17 =	smulhi.u32 @!p1 $0xA79C7B17, s17;
	s19 =	sshrl.u32 @!p1 s19, $0x10  }
0x3b: {  	s19 =	smul.u32 @!p1 $0x18700, s19  }
0x3c: {  	s31 =	sadd.s32 $0xFFFFFFFF, s14;
	s20 =	sxor.u32 @!p1 $0xFFFFFFFF, s14;
	s17 =	sshrl.u32 @!p1 s17, $0x10  }
0x3d: {  	s20 =	sshll.u32 @!p1 s20, $0xE;
	s17 =	sand.u32 @!p1 $0x3FF, s17;
	s18 =	ssub.s32 @!p1 s18, s19  }
0x3e: {  	s17 =	smul.u32 @!p1 $0x30E0, s17;
	s19 =	sshrl.u32 @!p1 s18, $0x3;
	s18 =	sand.u32 @!p1 $0x7, s18  }
0x3f: {  	s20 =	sand.u32 @!p1 $0x4000, s20;
	s19 =	sadd.s32 @!p1 s7, s19;
	s18 =	sshll.u32 @!p1 s18, $0x12  }
0x40: {  	s17 =	sadd.s32 @!p1 s17, s19;
	s18 =	sor.u32 @!p1 $0x400, s18;
	s19 =	simm.s32 @!p1 $0xC3800  }
0x41: {  	[tilespmem:s20], [sflag:$0x1] =	stream.strided.gather @!p1 [hbm4b:s17+s18], $0x4000, s19, s18, $0x38;
	[tilespmem:$0x10100] =	vst v63  }
0x42: {  	p1 =	sge.u32 s31, s6  }
.Ltmp2:
0x43: {  	_ = 	snop;
	(pc) =	sbr.rel @p1 .LBB1_5-.Ltmp2, $1  }
0x44: {  	_ =	sdelay $0x3  }
0x45: {  	s17 =	simm.s32 $0x1  }
0x46: {  	_ =	swait.ge [sflag:s5], $0x4000;
	s17 =	simm.s32 @!p0 $0x0  }
0x47: {  	[sflag:s5] =	ssyncset.done $0x0;
	s18 =	sshll.u32 s17, $0xE  }
0x48: {  	[sflag:s5] =	ssyncadd.s32 $0xFFFFC000;
	s18 =	sor.u32 $0x40, s18  }
0x49: {  	s17 =	smul.u32 $0x10200, s17;
	v0 =	vld [tilespmem:s18+$0x30]  }
0x4a: {  	v1 =	vld [tilespmem:s18+$0xFFFFFFD0]  }
0x4b: {  	s17 =	sshrl.u32 s17, $0x2;
	v5 =	vld [tilespmem:s18+$0xFFFFFFE0]  }
0x4c: {  	v6 =	vld [tilespmem:s18+$0xFFFFFFF0];
	s20 =	sor.u32 $0x8000, s17  }
0x4d: {  	s31 =	sand.u32 $0x1, s14;
	v4 =	vld [tilespmem:s18+$0x0];
	s19 =	sadd.s32 $0x0, s20  }
0x4e: {  	v3 =	vld [tilespmem:s18+$0x10];
	s17 =	smul.u32 $0x10200, s31;
	[tilespmem:s19+$0x3870 ss:$0x81] =	vst.msk $0xffff, v0  }
0x4f: {  	v2 =	vld [tilespmem:s18+$0x20];
	[tilespmem:s19+$0x810 ss:$0x81] =	vst.msk $0xffff, v1  }
0x50: {  	s17 =	sshrl.u32 s17, $0x2;
	v1 =	vld [tilespmem:s18+$0xFFFFFFC0];
	[tilespmem:s19+$0x1020 ss:$0x81] =	vst.msk $0xffff, v5;
	s18 =	sadd.s32 $0x80, s18  }
0x51: {  	s21 =	simm.s32 $0x4;
	s22 =	simm.s32 $0x8;
	s17 =	sor.u32 $0x8000, s17;
	[tilespmem:s19+$0x1830 ss:$0x81] =	vst.msk $0xffff, v6;
	v0 =	vld [tilespmem:s18+$0x30]  }
.LBB1_3:
0x52: {  	p1 =	sne.s32 s22, $0x1FC;
	v5 =	vld [tilespmem:s18+$0xFFFFFFD0];
	[tilespmem:s19+$0x2040 ss:$0x81] =	vst.msk $0xffff, v4  }
0x53: {  	v6 =	vld [tilespmem:s18+$0xFFFFFFE0];
	[tilespmem:s19+$0x2850 ss:$0x81] =	vst.msk $0xffff, v3  }
0x54: {  	s23 =	sshra.s32 s21, $0x2;
	s21 =	smov.u32 s22;
	v7 =	vld [tilespmem:s18+$0xFFFFFFF0];
	[tilespmem:s19+$0x3060 ss:$0x81] =	vst.msk $0xffff, v2  }
.Ltmp3:
0x55: {  	v4 =	vld [tilespmem:s18+$0x0];
	[tilespmem:s19+$0x0 ss:$0x81] =	vst.msk $0xffff, v1;
	s19 =	sadd.s32 s23, s20;
	(pc) =	sbr.rel @p1 .LBB1_3-.Ltmp3, $4  }
0x56: {  	v3 =	vld [tilespmem:s18+$0x10];
	[tilespmem:s19+$0x3870 ss:$0x81] =	vst.msk $0xffff, v0  }
0x57: {  	[tilespmem:s19+$0x810 ss:$0x81] =	vst.msk $0xffff, v5;
	v2 =	vld [tilespmem:s18+$0x20]  }
0x58: {  	v1 =	vld [tilespmem:s18+$0xFFFFFFC0];
	[tilespmem:s19+$0x1020 ss:$0x81] =	vst.msk $0xffff, v6;
	s18 =	sadd.s32 $0x80, s18  }
0x59: {  	s22 =	sadd.s32 $0x4, s22;
	v0 =	vld [tilespmem:s18+$0x30];
	[tilespmem:s19+$0x1830 ss:$0x81] =	vst.msk $0xffff, v7  }
.Ltmp4:
0x5a: {  	_ = 	snop;
	(pc) =	sbr.rel .LBB1_4-.Ltmp4, $1  }
0x5b: {  	_ =	sdelay $0x3  }
.LBB1_6:
0x5c: {  	_ =	sfence.sel $0x180000  }
0x5d: {  	s1 =	simm.s32 $0x1;
	[bflag:$0x0] =	sbarrier.arrive $0xFFFF  }
0x5e: {  	s31 =	simm.s32 $0x2;
	[sflag:s1] =	ssyncpa.u1 $0x1  }
0x5f: {  	[sflag:s31] =	ssyncpa.u1 $0x1  }
0x60: {  	p0 =	sne.s32 s0, $0x0;
	_ =	strace $0x90000053  }
0x61: {  	s0 =	sadd.s32 @!p0 $0x100000, s2;
	[bflag:$0x2] =	sbarrier.arrive $0xFFFF  }
0x62: {  	[sflag:s0] =	ssyncadd.tile.s32 @!p0 $0x1;
	_ =	shalt  }
.Lfunc_end1:
_tile_overlayer_lowered:
.L_overlay_start_2:
0x63: {  	(tag) =	ssettag $0x2  }
0x64: {  	s0 =	rddreg [dreg:$0x0];
	s2 =	stileid.u32  }
0x65: {  	s1 =	rddreg [dreg:$0x1];
	p0 =	sne.s32 s2, $0x0  }
0x66: {  	s3 =	rddreg [dreg:$0x2];
	[bflag:$0x3] =	sbarrier.arrive $0xFFFF;
	s2 =	simm.s32 @!p0 $0x1C01  }
0x67: {  	[timem:s3], [sflag:s2] =	dma.local @!p0 [hbm:s0], s1  }
0x68: {  	s0 =	simm.s32 @!p0 $0x1  }
0x69: {  	_ =	swait.ge @!p0 [sflag:s0], s1  }
0x6a: {  	s1 =	ssub.s32 @!p0 $0x0, s1;
	[sflag:s0] =	ssyncset.done @!p0 $0x0  }
0x6b: {  	[sflag:s0] =	ssyncadd.s32 @!p0 s1  }
0x6c: {  	[bflag:$0x3] =	sbarrier.arrive $0xFFFF  }
0x6d: {  	_ =	shalt  }

</sc_bundles>
